<compile_context>
chip_gen: v7x
topology: tpu7x:2x2x1
jax: 0.10.2.dev20260603
libtpu: 0.0.44.dev20260713+nightly
codegen_flags: <defaults>
</compile_context>

<pallas_src>
import functools

import jax
import jax.numpy as jnp
from jax import lax
from jax.experimental import pallas as pl
from jax.experimental.pallas import tpu as pltpu
from jax.experimental.pallas import tpu_sc as plsc

NC = 2
NS = 16
NW = NC * NS
B = 16384
D = 32
V = 1000000
PACK = 4
BPW = B // NW
TC_CHUNK = 32768
BAND = TC_CHUNK // PACK
NSTEP = pl.cdiv(V, TC_CHUNK)
VP = NSTEP * BAND
BANDBITS = BAND.bit_length() - 1
STEPBITS = TC_CHUNK.bit_length() - 1


def _transpose_kernel(x_ref, eyes_ref, o_ref):
    x = x_ref[...].astype(jnp.bfloat16)
    xs = jnp.concatenate(
        [x[:, a * BAND:(a + 1) * BAND] for a in range(PACK)], axis=0)
    acc = jax.lax.dot_general(
        xs, eyes_ref[...],
        dimension_numbers=(((0,), (0,)), ((), ())),
        preferred_element_type=jnp.float32)
    o_ref[...] = pltpu.bitcast(acc.astype(jnp.bfloat16), jnp.float32)


def _pack_table(tabT, eyes):
    return pl.pallas_call(
        _transpose_kernel,
        grid=(NSTEP,),
        in_specs=[
            pl.BlockSpec((D, TC_CHUNK), lambda i: (0, i)),
            pl.BlockSpec((D * PACK, D * PACK), lambda i: (0, 0)),
        ],
        out_specs=pl.BlockSpec((BAND // 2, D * PACK), lambda i: (i, 0)),
        out_shape=jax.ShapeDtypeStruct((VP // 2, D * PACK), jnp.float32),
        compiler_params=pltpu.CompilerParams(
            dimension_semantics=("arbitrary",)),
    )(tabT, eyes)


def _gather_sc(idx, t4):
    mesh = plsc.VectorSubcoreMesh(core_axis_name="c", subcore_axis_name="s")

    @functools.partial(
        pl.kernel,
        mesh=mesh,
        out_type=jax.ShapeDtypeStruct((B, D * PACK), jnp.float32),
        scratch_types=[
            pltpu.VMEM((BPW,), jnp.int32),
            pltpu.VMEM((BPW,), jnp.int32),
            pltpu.VMEM((BPW, D * PACK), jnp.float32),
            pltpu.SemaphoreType.DMA,
        ],
    )
    def k(idx_hbm, t_hbm, g_hbm, idx_v, j_v, rows_v, sem):
        wid = lax.axis_index("s") * NC + lax.axis_index("c")
        base = wid * BPW

        pltpu.sync_copy(idx_hbm.at[pl.ds(base, BPW)], idx_v)

        @pl.loop(0, BPW, step=16)
        def _(i):
            u = idx_v.at[pl.ds(i, 16)][...]
            j_v.at[pl.ds(i, 16)][...] = (
                ((u >> STEPBITS) << BANDBITS) | (u & (BAND - 1))) >> 1

        pltpu.async_copy(t_hbm.at[j_v], rows_v, sem).wait()
        pltpu.sync_copy(rows_v, g_hbm.at[pl.ds(base, BPW)])

    return k(idx, t4)


def _extract(g, idx):
    gi = jax.lax.bitcast_convert_type(g, jnp.int32)
    podd = (idx & 1) == 1
    gsel = jnp.where(podd, gi & jnp.int32(-65536), gi << 16)
    gf = jax.lax.bitcast_convert_type(gsel, jnp.float32).astype(jnp.bfloat16)
    amod = (idx >> BANDBITS) & 3
    out = jnp.zeros((g.shape[0], D), jnp.bfloat16)
    for a in range(PACK):
        m = (amod == a).astype(jnp.bfloat16)
        out = out + m * gf[:, a * D:(a + 1) * D]
    return out


def _mlp_kernel(gu_ref, gp_ref, ui_ref, pi_ref,
                w1u_ref, w1p_ref, b1_ref,
                w2_ref, b2_ref, w3_ref, b3_ref, out_ref):
    ue = _extract(gu_ref[...], ui_ref[...]).astype(jnp.float32)
    pe = _extract(gp_ref[...], pi_ref[...]).astype(jnp.float32)
    h = jnp.dot(ue, w1u_ref[...], preferred_element_type=jnp.float32)
    h = h + jnp.dot(pe, w1p_ref[...], preferred_element_type=jnp.float32)
    h = jnp.maximum(h + b1_ref[...], 0.0)
    h = jnp.maximum(
        jnp.dot(h, w2_ref[...], preferred_element_type=jnp.float32)
        + b2_ref[...], 0.0)
    o = jnp.dot(h, w3_ref[...], preferred_element_type=jnp.float32) + b3_ref[...]
    out_ref[...] = jax.nn.sigmoid(o)


def _mlp_tc(gu, gp, user, product, W1, b1, W2, b2, W3, b3):
    W1uT = W1[:, :D].T
    W1pT = W1[:, D:].T
    W2T = W2.T
    W3T = W3.T
    b1r = b1.reshape(1, 128)
    b2r = b2.reshape(1, 64)
    b3r = b3.reshape(1, 1)
    ui = user.reshape(B, 1)
    pi = product.reshape(B, 1)
    BB = 4096
    grid = (B // BB,)
    return pl.pallas_call(
        _mlp_kernel,
        grid=grid,
        in_specs=[
            pl.BlockSpec((BB, D * PACK), lambda i: (i, 0)),
            pl.BlockSpec((BB, D * PACK), lambda i: (i, 0)),
            pl.BlockSpec((BB, 1), lambda i: (i, 0)),
            pl.BlockSpec((BB, 1), lambda i: (i, 0)),
            pl.BlockSpec((D, 128), lambda i: (0, 0)),
            pl.BlockSpec((D, 128), lambda i: (0, 0)),
            pl.BlockSpec((1, 128), lambda i: (0, 0)),
            pl.BlockSpec((128, 64), lambda i: (0, 0)),
            pl.BlockSpec((1, 64), lambda i: (0, 0)),
            pl.BlockSpec((64, 1), lambda i: (0, 0)),
            pl.BlockSpec((1, 1), lambda i: (0, 0)),
        ],
        out_specs=pl.BlockSpec((BB, 1), lambda i: (i, 0)),
        out_shape=jax.ShapeDtypeStruct((B, 1), jnp.float32),
        compiler_params=pltpu.CompilerParams(
            dimension_semantics=("arbitrary",)),
    )(gu, gp, ui, pi, W1uT, W1pT, b1r, W2T, b2r, W3T, b3r)


def kernel(user, product, user_emb, prod_emb, W1, b1, W2, b2, W3, b3):
    eyes = jnp.eye(D * PACK, dtype=jnp.bfloat16)
    t4u = _pack_table(user_emb.T, eyes)
    gu = _gather_sc(user, t4u)
    t4p = _pack_table(prod_emb.T, eyes)
    gp = _gather_sc(product, t4p)
    return _mlp_tc(gu, gp, user, product, W1, b1, W2, b2, W3, b3)

# --- scband reference (transcript-rebuilt; emitter-appended) ---
"""Pipeline reference for scband-deep-recommender-model-66503273611964 (READ-ONLY COPY).

The authoritative reference and input builder live on the scoring server;
editing this copy changes nothing except your own understanding.
"""

import jax, jax.numpy as jnp
import numpy as np

NUM_USERS = 1000000
NUM_PRODUCTS = 1000000
EMBED_DIM = 32
BATCH = 16384


def setup_inputs(seed: int = 0) -> dict:
    key = jax.random.key(seed)
    ks = jax.random.split(key, 10)
    user = jax.random.randint(ks[0], (BATCH,), 0, NUM_USERS, dtype=jnp.int64 if jax.config.jax_enable_x64 else jnp.int32)
    product = jax.random.randint(ks[1], (BATCH,), 0, NUM_PRODUCTS, dtype=jnp.int64 if jax.config.jax_enable_x64 else jnp.int32)
    user_emb = jax.random.normal(ks[2], (NUM_USERS, EMBED_DIM), dtype=jnp.float32)
    prod_emb = jax.random.normal(ks[3], (NUM_PRODUCTS, EMBED_DIM), dtype=jnp.float32)
    # fc1: Linear(embed_dim*2 -> 128), xavier_uniform weights
    W1 = jax.random.uniform(ks[4], (128, EMBED_DIM * 2), dtype=jnp.float32, minval=-1, maxval=1) * np.sqrt(6.0 / (128 + EMBED_DIM * 2))
    b1 = jnp.zeros((128,), dtype=jnp.float32)
    W2 = jax.random.uniform(ks[5], (64, 128), dtype=jnp.float32, minval=-1, maxval=1) * np.sqrt(6.0 / (64 + 128))
    b2 = jnp.zeros((64,), dtype=jnp.float32)
    W3 = jax.random.uniform(ks[6], (1, 64), dtype=jnp.float32, minval=-1, maxval=1) * np.sqrt(6.0 / (1 + 64))
    b3 = jnp.zeros((1,), dtype=jnp.float32)
    return {"user": user, "product": product, "user_emb": user_emb, "prod_emb": prod_emb,
            "W1": W1, "b1": b1, "W2": W2, "b2": b2, "W3": W3, "b3": b3}


def reference(user, product, user_emb, prod_emb, W1, b1, W2, b2, W3, b3):
    # Embedding lookups (gather)
    ue = jnp.take(user_emb, user, axis=0)
    pe = jnp.take(prod_emb, product, axis=0)
    combined = jnp.concatenate([ue, pe], axis=1)
    x = jnp.maximum(combined @ W1.T + b1, 0.0)
    # dropout(p=0.5) is identity in eval mode
    x = jnp.maximum(x @ W2.T + b2, 0.0)
    out = jax.nn.sigmoid(x @ W3.T + b3)
    return out

if __name__ == "__main__":
    import jax
    _d = setup_inputs()
    print(jax.jit(kernel)(*tuple(_d.values())))

</pallas_src>

<mosaic_0001>
#map = affine_map<(d0, d1) -> (0)>
#map1 = affine_map<(d0, d1) -> (0, 0)>
module attributes {stable_mosaic.version = 14 : i64} {
  func.func @k(%arg0: i32, %arg1: i32, %arg2: memref<16384xi32, #tpu.memory_space<hbm>>, %arg3: memref<126976x128xf32, #tpu.memory_space<hbm>>, %arg4: memref<16384x128xf32, #tpu.memory_space<hbm>>, %arg5: memref<512xi32, #tpu.memory_space<vmem>>, %arg6: memref<512xi32, #tpu.memory_space<vmem>>, %arg7: memref<512x128xf32, #tpu.memory_space<vmem>>, %arg8: memref<!tpu.dma_semaphore, #tpu.memory_space<semaphore_mem>>) attributes {dimension_semantics = [#tpu.dimension_semantics<core_parallel>, #tpu.dimension_semantics<subcore_parallel>], iteration_bounds = array<i64: 2, 16>, scalar_prefetch = 0 : i64, scratch_operands = 4 : i64, tpu.core_type = #tpu.core_type<sc_vector_subcore>, window_params = [{transform_indices = #map}, {transform_indices = #map1}, {transform_indices = #map1}]} {
    %mul3A = arith.constant 2 : i32
    %mul3A_0 = arith.muli %arg1, %mul3A : i32
    %add3A = arith.addi %mul3A_0, %arg0 : i32
    %mul3A_1 = arith.constant 512 : i32
    %mul3A_2 = arith.muli %add3A, %mul3A_1 : i32
    "tpu.region"() ({
      %run_scoped3A = tpu.sem_alloc : memref<!tpu.dma_semaphore, #tpu.memory_space<semaphore_mem>>
      %dma_start3A_11 = tpu.memref_slice %arg2[%mul3A_2] : memref<16384xi32, #tpu.memory_space<hbm>> -> memref<512xi32, #tpu.memory_space<hbm>>
      %dma_start3A_12 = tpu.memref_slice %arg2[%mul3A_2] : memref<16384xi32, #tpu.memory_space<hbm>> -> memref<512xi32, #tpu.memory_space<hbm>>
      tpu.enqueue_dma source(%dma_start3A_12 : memref<512xi32, #tpu.memory_space<hbm>>) target(%arg5 : memref<512xi32, #tpu.memory_space<vmem>>) target_semaphore(%run_scoped3A : memref<!tpu.dma_semaphore, #tpu.memory_space<semaphore_mem>>)
      %dma_wait3A_13 = tpu.memref_slice %arg2[%mul3A_2] : memref<16384xi32, #tpu.memory_space<hbm>> -> memref<512xi32, #tpu.memory_space<hbm>>
      %dma_wait3A_14 = tpu.memref_slice %arg2[%mul3A_2] : memref<16384xi32, #tpu.memory_space<hbm>> -> memref<512xi32, #tpu.memory_space<hbm>>
      tpu.wait_dma2 semaphore(%run_scoped3A : memref<!tpu.dma_semaphore, #tpu.memory_space<semaphore_mem>>) src(%dma_wait3A_14 : memref<512xi32, #tpu.memory_space<hbm>>) dst(%arg5 : memref<512xi32, #tpu.memory_space<vmem>>)
      tpu.yield
    }) : () -> ()
    %scan3A = arith.constant 0 : i32
    %scan3A_3 = arith.constant 32 : i32
    %scan3A_4 = arith.addi %scan3A, %scan3A_3 : i32
    %scan3A_5 = arith.constant 1 : i32
    scf.for %scan3A_11 = %scan3A to %scan3A_4 step %scan3A_5  : i32 {
      %mul3A_12 = arith.constant 16 : i32
      %mul3A_13 = arith.muli %scan3A_11, %mul3A_12 : i32
      %add3A_14 = arith.constant 0 : i32
      %add3A_15 = arith.addi %add3A_14, %mul3A_13 : i32
      %get3A = arith.index_cast %add3A_15 : i32 to index
      %get3A_16 = tpu.vector_load %arg5[%get3A] {strides = array<i32>} : memref<512xi32, #tpu.memory_space<vmem>>, vector<16xi32>,
      %get3A_17 = vector.shape_cast %get3A_16 : vector<16xi32> to vector<16xi32>
      %shift_right_arithmetic3A = arith.constant 15 : i32
      %shift_right_arithmetic3A_18 = vector.broadcast %shift_right_arithmetic3A : i32 to vector<16xi32>
      %shift_right_arithmetic3A_19 = arith.shrsi %get3A_17, %shift_right_arithmetic3A_18 : vector<16xi32>
      %shift_left3A = arith.constant 13 : i32
      %shift_left3A_20 = vector.broadcast %shift_left3A : i32 to vector<16xi32>
      %shift_left3A_21 = arith.shli %shift_right_arithmetic3A_19, %shift_left3A_20 : vector<16xi32>
      %and3A = arith.constant 8191 : i32
      %and3A_22 = vector.broadcast %and3A : i32 to vector<16xi32>
      %and3A_23 = arith.andi %get3A_17, %and3A_22 : vector<16xi32>
      %or3A = arith.ori %shift_left3A_21, %and3A_23 : vector<16xi32>
      %shift_right_arithmetic3A_24 = arith.constant 1 : i32
      %shift_right_arithmetic3A_25 = vector.broadcast %shift_right_arithmetic3A_24 : i32 to vector<16xi32>
      %shift_right_arithmetic3A_26 = arith.shrsi %or3A, %shift_right_arithmetic3A_25 : vector<16xi32>
      %swap3A = arith.index_cast %add3A_15 : i32 to index
      %swap3A_27 = tpu.vector_load %arg6[%swap3A] {strides = array<i32>} : memref<512xi32, #tpu.memory_space<vmem>>, vector<16xi32>,
      %swap3A_28 = vector.shape_cast %swap3A_27 : vector<16xi32> to vector<16xi32>
      %swap3A_29 = vector.shape_cast %shift_right_arithmetic3A_26 : vector<16xi32> to vector<16xi32>
      tpu.vector_store %arg6[%swap3A], %swap3A_29 {strides = array<i32>} : memref<512xi32, #tpu.memory_space<vmem>>, vector<16xi32>,
    }
    %scan3A_6 = arith.constant 32 : i32
    %dma_start3A = arith.constant 0 : i32
    %dma_start3A_7 = arith.constant 0 : i32
    %dma_start3A_8 = tpu.memref_slice %arg3[%dma_start3A, %dma_start3A_7] : memref<126976x128xf32, #tpu.memory_space<hbm>> -> memref<126976x128xf32, #tpu.memory_space<hbm>>
    tpu.enqueue_indirect_dma source(%dma_start3A_8 : memref<126976x128xf32, #tpu.memory_space<hbm>>) target(%arg7 : memref<512x128xf32, #tpu.memory_space<vmem>>) offsets(%arg6 : memref<512xi32, #tpu.memory_space<vmem>>) semaphore(%arg8 : memref<!tpu.dma_semaphore, #tpu.memory_space<semaphore_mem>>)
    %dma_wait3A = arith.constant 0 : i32
    %dma_wait3A_9 = arith.constant 0 : i32
    %dma_wait3A_10 = tpu.memref_slice %arg3[%dma_wait3A, %dma_wait3A_9] : memref<126976x128xf32, #tpu.memory_space<hbm>> -> memref<126976x128xf32, #tpu.memory_space<hbm>>
    tpu.wait_indirect_dma semaphore(%arg8 : memref<!tpu.dma_semaphore, #tpu.memory_space<semaphore_mem>>) src(%dma_wait3A_10 : memref<126976x128xf32, #tpu.memory_space<hbm>>) dst(%arg7 : memref<512x128xf32, #tpu.memory_space<vmem>>)
    "tpu.region"() ({
      %run_scoped3A = tpu.sem_alloc : memref<!tpu.dma_semaphore, #tpu.memory_space<semaphore_mem>>
      %dma_start3A_11 = arith.constant 0 : i32
      %dma_start3A_12 = tpu.memref_slice %arg4[%mul3A_2, %dma_start3A_11] : memref<16384x128xf32, #tpu.memory_space<hbm>> -> memref<512x128xf32, #tpu.memory_space<hbm>>
      %dma_start3A_13 = arith.constant 0 : i32
      %dma_start3A_14 = tpu.memref_slice %arg4[%mul3A_2, %dma_start3A_13] : memref<16384x128xf32, #tpu.memory_space<hbm>> -> memref<512x128xf32, #tpu.memory_space<hbm>>
      tpu.enqueue_dma source(%arg7 : memref<512x128xf32, #tpu.memory_space<vmem>>) target(%dma_start3A_14 : memref<512x128xf32, #tpu.memory_space<hbm>>) target_semaphore(%run_scoped3A : memref<!tpu.dma_semaphore, #tpu.memory_space<semaphore_mem>>)
      %dma_wait3A_15 = arith.constant 0 : i32
      %dma_wait3A_16 = tpu.memref_slice %arg4[%mul3A_2, %dma_wait3A_15] : memref<16384x128xf32, #tpu.memory_space<hbm>> -> memref<512x128xf32, #tpu.memory_space<hbm>>
      %dma_wait3A_17 = arith.constant 0 : i32
      %dma_wait3A_18 = tpu.memref_slice %arg4[%mul3A_2, %dma_wait3A_17] : memref<16384x128xf32, #tpu.memory_space<hbm>> -> memref<512x128xf32, #tpu.memory_space<hbm>>
      tpu.wait_dma2 semaphore(%run_scoped3A : memref<!tpu.dma_semaphore, #tpu.memory_space<semaphore_mem>>) src(%arg7 : memref<512x128xf32, #tpu.memory_space<vmem>>) dst(%dma_wait3A_18 : memref<512x128xf32, #tpu.memory_space<hbm>>)
      tpu.yield
    }) : () -> ()
    return
  }
}

#map = affine_map<(d0, d1) -> (0)>
#map1 = affine_map<(d0, d1) -> (0, 0)>
module attributes {stable_mosaic.version = 14 : i64} {
  func.func @k(%arg0: i32, %arg1: i32, %arg2: memref<16384xi32, #tpu.memory_space<hbm>>, %arg3: memref<126976x128xf32, #tpu.memory_space<hbm>>, %arg4: memref<16384x128xf32, #tpu.memory_space<hbm>>, %arg5: memref<512xi32, #tpu.memory_space<vmem>>, %arg6: memref<512xi32, #tpu.memory_space<vmem>>, %arg7: memref<512x128xf32, #tpu.memory_space<vmem>>, %arg8: memref<!tpu.dma_semaphore, #tpu.memory_space<semaphore_mem>>) attributes {dimension_semantics = [#tpu.dimension_semantics<core_parallel>, #tpu.dimension_semantics<subcore_parallel>], iteration_bounds = array<i64: 2, 16>, scalar_prefetch = 0 : i64, scratch_operands = 4 : i64, tpu.core_type = #tpu.core_type<sc_vector_subcore>, window_params = [{transform_indices = #map}, {transform_indices = #map1}, {transform_indices = #map1}]} {
    %mul3A = arith.constant 2 : i32
    %mul3A_0 = arith.muli %arg1, %mul3A : i32
    %add3A = arith.addi %mul3A_0, %arg0 : i32
    %mul3A_1 = arith.constant 512 : i32
    %mul3A_2 = arith.muli %add3A, %mul3A_1 : i32
    "tpu.region"() ({
      %run_scoped3A = tpu.sem_alloc : memref<!tpu.dma_semaphore, #tpu.memory_space<semaphore_mem>>
      %dma_start3A_11 = tpu.memref_slice %arg2[%mul3A_2] : memref<16384xi32, #tpu.memory_space<hbm>> -> memref<512xi32, #tpu.memory_space<hbm>>
      %dma_start3A_12 = tpu.memref_slice %arg2[%mul3A_2] : memref<16384xi32, #tpu.memory_space<hbm>> -> memref<512xi32, #tpu.memory_space<hbm>>
      tpu.enqueue_dma source(%dma_start3A_12 : memref<512xi32, #tpu.memory_space<hbm>>) target(%arg5 : memref<512xi32, #tpu.memory_space<vmem>>) target_semaphore(%run_scoped3A : memref<!tpu.dma_semaphore, #tpu.memory_space<semaphore_mem>>)
      %dma_wait3A_13 = tpu.memref_slice %arg2[%mul3A_2] : memref<16384xi32, #tpu.memory_space<hbm>> -> memref<512xi32, #tpu.memory_space<hbm>>
      %dma_wait3A_14 = tpu.memref_slice %arg2[%mul3A_2] : memref<16384xi32, #tpu.memory_space<hbm>> -> memref<512xi32, #tpu.memory_space<hbm>>
      tpu.wait_dma2 semaphore(%run_scoped3A : memref<!tpu.dma_semaphore, #tpu.memory_space<semaphore_mem>>) src(%dma_wait3A_14 : memref<512xi32, #tpu.memory_space<hbm>>) dst(%arg5 : memref<512xi32, #tpu.memory_space<vmem>>)
      tpu.yield
    }) : () -> ()
    %scan3A = arith.constant 0 : i32
    %scan3A_3 = arith.constant 32 : i32
    %scan3A_4 = arith.addi %scan3A, %scan3A_3 : i32
    %scan3A_5 = arith.constant 1 : i32
    scf.for %scan3A_11 = %scan3A to %scan3A_4 step %scan3A_5  : i32 {
      %mul3A_12 = arith.constant 16 : i32
      %mul3A_13 = arith.muli %scan3A_11, %mul3A_12 : i32
      %add3A_14 = arith.constant 0 : i32
      %add3A_15 = arith.addi %add3A_14, %mul3A_13 : i32
      %get3A = arith.index_cast %add3A_15 : i32 to index
      %get3A_16 = tpu.vector_load %arg5[%get3A] {strides = array<i32>} : memref<512xi32, #tpu.memory_space<vmem>>, vector<16xi32>,
      %get3A_17 = vector.shape_cast %get3A_16 : vector<16xi32> to vector<16xi32>
      %shift_right_arithmetic3A = arith.constant 15 : i32
      %shift_right_arithmetic3A_18 = vector.broadcast %shift_right_arithmetic3A : i32 to vector<16xi32>
      %shift_right_arithmetic3A_19 = arith.shrsi %get3A_17, %shift_right_arithmetic3A_18 : vector<16xi32>
      %shift_left3A = arith.constant 13 : i32
      %shift_left3A_20 = vector.broadcast %shift_left3A : i32 to vector<16xi32>
      %shift_left3A_21 = arith.shli %shift_right_arithmetic3A_19, %shift_left3A_20 : vector<16xi32>
      %and3A = arith.constant 8191 : i32
      %and3A_22 = vector.broadcast %and3A : i32 to vector<16xi32>
      %and3A_23 = arith.andi %get3A_17, %and3A_22 : vector<16xi32>
      %or3A = arith.ori %shift_left3A_21, %and3A_23 : vector<16xi32>
      %shift_right_arithmetic3A_24 = arith.constant 1 : i32
      %shift_right_arithmetic3A_25 = vector.broadcast %shift_right_arithmetic3A_24 : i32 to vector<16xi32>
      %shift_right_arithmetic3A_26 = arith.shrsi %or3A, %shift_right_arithmetic3A_25 : vector<16xi32>
      %swap3A = arith.index_cast %add3A_15 : i32 to index
      %swap3A_27 = tpu.vector_load %arg6[%swap3A] {strides = array<i32>} : memref<512xi32, #tpu.memory_space<vmem>>, vector<16xi32>,
      %swap3A_28 = vector.shape_cast %swap3A_27 : vector<16xi32> to vector<16xi32>
      %swap3A_29 = vector.shape_cast %shift_right_arithmetic3A_26 : vector<16xi32> to vector<16xi32>
      tpu.vector_store %arg6[%swap3A], %swap3A_29 {strides = array<i32>} : memref<512xi32, #tpu.memory_space<vmem>>, vector<16xi32>,
    }
    %scan3A_6 = arith.constant 32 : i32
    %dma_start3A = arith.constant 0 : i32
    %dma_start3A_7 = arith.constant 0 : i32
    %dma_start3A_8 = tpu.memref_slice %arg3[%dma_start3A, %dma_start3A_7] : memref<126976x128xf32, #tpu.memory_space<hbm>> -> memref<126976x128xf32, #tpu.memory_space<hbm>>
    tpu.enqueue_indirect_dma source(%dma_start3A_8 : memref<126976x128xf32, #tpu.memory_space<hbm>>) target(%arg7 : memref<512x128xf32, #tpu.memory_space<vmem>>) offsets(%arg6 : memref<512xi32, #tpu.memory_space<vmem>>) semaphore(%arg8 : memref<!tpu.dma_semaphore, #tpu.memory_space<semaphore_mem>>)
    %dma_wait3A = arith.constant 0 : i32
    %dma_wait3A_9 = arith.constant 0 : i32
    %dma_wait3A_10 = tpu.memref_slice %arg3[%dma_wait3A, %dma_wait3A_9] : memref<126976x128xf32, #tpu.memory_space<hbm>> -> memref<126976x128xf32, #tpu.memory_space<hbm>>
    tpu.wait_indirect_dma semaphore(%arg8 : memref<!tpu.dma_semaphore, #tpu.memory_space<semaphore_mem>>) src(%dma_wait3A_10 : memref<126976x128xf32, #tpu.memory_space<hbm>>) dst(%arg7 : memref<512x128xf32, #tpu.memory_space<vmem>>)
    "tpu.region"() ({
      %run_scoped3A = tpu.sem_alloc : memref<!tpu.dma_semaphore, #tpu.memory_space<semaphore_mem>>
      %dma_start3A_11 = arith.constant 0 : i32
      %dma_start3A_12 = tpu.memref_slice %arg4[%mul3A_2, %dma_start3A_11] : memref<16384x128xf32, #tpu.memory_space<hbm>> -> memref<512x128xf32, #tpu.memory_space<hbm>>
      %dma_start3A_13 = arith.constant 0 : i32
      %dma_start3A_14 = tpu.memref_slice %arg4[%mul3A_2, %dma_start3A_13] : memref<16384x128xf32, #tpu.memory_space<hbm>> -> memref<512x128xf32, #tpu.memory_space<hbm>>
      tpu.enqueue_dma source(%arg7 : memref<512x128xf32, #tpu.memory_space<vmem>>) target(%dma_start3A_14 : memref<512x128xf32, #tpu.memory_space<hbm>>) target_semaphore(%run_scoped3A : memref<!tpu.dma_semaphore, #tpu.memory_space<semaphore_mem>>)
      %dma_wait3A_15 = arith.constant 0 : i32
      %dma_wait3A_16 = tpu.memref_slice %arg4[%mul3A_2, %dma_wait3A_15] : memref<16384x128xf32, #tpu.memory_space<hbm>> -> memref<512x128xf32, #tpu.memory_space<hbm>>
      %dma_wait3A_17 = arith.constant 0 : i32
      %dma_wait3A_18 = tpu.memref_slice %arg4[%mul3A_2, %dma_wait3A_17] : memref<16384x128xf32, #tpu.memory_space<hbm>> -> memref<512x128xf32, #tpu.memory_space<hbm>>
      tpu.wait_dma2 semaphore(%run_scoped3A : memref<!tpu.dma_semaphore, #tpu.memory_space<semaphore_mem>>) src(%arg7 : memref<512x128xf32, #tpu.memory_space<vmem>>) dst(%dma_wait3A_18 : memref<512x128xf32, #tpu.memory_space<hbm>>)
      tpu.yield
    }) : () -> ()
    return
  }
}

module attributes {stable_mosaic.version = 14 : i64} {
  func.func @_transpose_kernel(%arg0: i32, %arg1: memref<32x32768xf32, #tpu.memory_space<vmem>>, %arg2: memref<128x128xbf16, #tpu.memory_space<vmem>>, %arg3: memref<4096x128xf32, #tpu.memory_space<vmem>>) attributes {dimension_semantics = [#tpu.dimension_semantics<arbitrary>], iteration_bounds = array<i64: 31>, scalar_prefetch = 0 : i64, scratch_operands = 0 : i64, tpu.core_type = #tpu.core_type<tc>, window_params = [{transform_indices = @transform_0, window_bounds = array<i64: 32, 32768>}, {pipeline_mode = #tpu.pipeline_mode<synchronous>, transform_indices = @transform_1, window_bounds = array<i64: 128, 128>}, {transform_indices = @transform_2, window_bounds = array<i64: 4096, 128>}]} {
    %get3A = arith.constant 0 : index
    %get3A_0 = arith.constant 0 : index
    %get3A_1 = vector.load %arg1[%get3A, %get3A_0] : memref<32x32768xf32, #tpu.memory_space<vmem>>, vector<32x32768xf32>
    %convert_element_type3A = arith.truncf %get3A_1 : vector<32x32768xf32> to vector<32x32768xbf16>
    %slice3A = vector.extract_strided_slice %convert_element_type3A {offsets = [0, 0], sizes = [32, 8192], strides = [1, 1]} : vector<32x32768xbf16> to vector<32x8192xbf16>
    %slice3A_2 = vector.extract_strided_slice %convert_element_type3A {offsets = [0, 8192], sizes = [32, 8192], strides = [1, 1]} : vector<32x32768xbf16> to vector<32x8192xbf16>
    %slice3A_3 = vector.extract_strided_slice %convert_element_type3A {offsets = [0, 16384], sizes = [32, 8192], strides = [1, 1]} : vector<32x32768xbf16> to vector<32x8192xbf16>
    %slice3A_4 = vector.extract_strided_slice %convert_element_type3A {offsets = [0, 24576], sizes = [32, 8192], strides = [1, 1]} : vector<32x32768xbf16> to vector<32x8192xbf16>
    %concatenate3A = tpu.concatenate %slice3A, %slice3A_2, %slice3A_3, %slice3A_4 in 0 : vector<32x8192xbf16>, vector<32x8192xbf16>, vector<32x8192xbf16>, vector<32x8192xbf16> -> vector<128x8192xbf16>
    %get3A_5 = arith.constant 0 : index
    %get3A_6 = arith.constant 0 : index
    %get3A_7 = vector.load %arg2[%get3A_5, %get3A_6] : memref<128x128xbf16, #tpu.memory_space<vmem>>, vector<128x128xbf16>
    %dot_general3A = arith.constant dense<0.000000e+00> : vector<8192x128xf32>
    %dot_general3A_8 = tpu.matmul %concatenate3A, %get3A_7, %dot_general3A {dimension_numbers = #tpu.dot_dimension_numbers<[0], [0], [1], [1], [0, 1, 1, 1], [], []>, transpose_lhs_hint = false} : vector<128x8192xbf16>, vector<128x128xbf16>, vector<8192x128xf32> -> vector<8192x128xf32>
    %convert_element_type3A_9 = arith.truncf %dot_general3A_8 : vector<8192x128xf32> to vector<8192x128xbf16>
    %bitcast3A = tpu.bitcast %convert_element_type3A_9 : vector<8192x128xbf16> -> vector<4096x128xf32>
    %swap3A = arith.constant 0 : index
    %swap3A_10 = arith.constant 0 : index
    %swap3A_11 = vector.load %arg3[%swap3A, %swap3A_10] : memref<4096x128xf32, #tpu.memory_space<vmem>>, vector<4096x128xf32>
    tpu.vector_store %arg3[%swap3A, %swap3A_10], %bitcast3A {strides = array<i32>} : memref<4096x128xf32, #tpu.memory_space<vmem>>, vector<4096x128xf32>,
    return
  }
  func.func @transform_0(%arg0: i32) -> (i32, i32) {
    %c0_i32 = arith.constant 0 : i32
    %c0_i32_0 = arith.constant 0 : i32
    return %c0_i32, %arg0 : i32, i32
  }
  func.func @transform_1(%arg0: i32) -> (i32, i32) {
    %c0_i32 = arith.constant 0 : i32
    %c0_i32_0 = arith.constant 0 : i32
    %c0_i32_1 = arith.constant 0 : i32
    return %c0_i32, %c0_i32_0 : i32, i32
  }
  func.func @transform_2(%arg0: i32) -> (i32, i32) {
    %c0_i32 = arith.constant 0 : i32
    %c0_i32_0 = arith.constant 0 : i32
    return %arg0, %c0_i32 : i32, i32
  }
}

module attributes {stable_mosaic.version = 14 : i64} {
  func.func @_mlp_kernel(%arg0: i32, %arg1: memref<4096x128xf32, #tpu.memory_space<vmem>>, %arg2: memref<4096x128xf32, #tpu.memory_space<vmem>>, %arg3: memref<4096x1xi32, #tpu.memory_space<vmem>>, %arg4: memref<4096x1xi32, #tpu.memory_space<vmem>>, %arg5: memref<32x128xf32, #tpu.memory_space<vmem>>, %arg6: memref<32x128xf32, #tpu.memory_space<vmem>>, %arg7: memref<1x128xf32, #tpu.memory_space<vmem>>, %arg8: memref<128x64xf32, #tpu.memory_space<vmem>>, %arg9: memref<1x64xf32, #tpu.memory_space<vmem>>, %arg10: memref<64x1xf32, #tpu.memory_space<vmem>>, %arg11: memref<1x1xf32, #tpu.memory_space<vmem>>, %arg12: memref<4096x1xf32, #tpu.memory_space<vmem>>) attributes {dimension_semantics = [#tpu.dimension_semantics<arbitrary>], iteration_bounds = array<i64: 4>, scalar_prefetch = 0 : i64, scratch_operands = 0 : i64, tpu.core_type = #tpu.core_type<tc>, window_params = [{transform_indices = @transform_0, window_bounds = array<i64: 4096, 128>}, {transform_indices = @transform_1, window_bounds = array<i64: 4096, 128>}, {transform_indices = @transform_2, window_bounds = array<i64: 4096, 1>}, {transform_indices = @transform_3, window_bounds = array<i64: 4096, 1>}, {pipeline_mode = #tpu.pipeline_mode<synchronous>, transform_indices = @transform_4, window_bounds = array<i64: 32, 128>}, {pipeline_mode = #tpu.pipeline_mode<synchronous>, transform_indices = @transform_5, window_bounds = array<i64: 32, 128>}, {pipeline_mode = #tpu.pipeline_mode<synchronous>, transform_indices = @transform_6, window_bounds = array<i64: 1, 128>}, {pipeline_mode = #tpu.pipeline_mode<synchronous>, transform_indices = @transform_7, window_bounds = array<i64: 128, 64>}, {pipeline_mode = #tpu.pipeline_mode<synchronous>, transform_indices = @transform_8, window_bounds = array<i64: 1, 64>}, {pipeline_mode = #tpu.pipeline_mode<synchronous>, transform_indices = @transform_9, window_bounds = array<i64: 64, 1>}, {pipeline_mode = #tpu.pipeline_mode<synchronous>, transform_indices = @transform_10, window_bounds = array<i64: 1, 1>}, {transform_indices = @transform_11, window_bounds = array<i64: 4096, 1>}]} {
    %get3A = arith.constant 0 : index
    %get3A_0 = arith.constant 0 : index
    %get3A_1 = vector.load %arg1[%get3A, %get3A_0] : memref<4096x128xf32, #tpu.memory_space<vmem>>, vector<4096x128xf32>
    %get3A_2 = arith.constant 0 : index
    %get3A_3 = arith.constant 0 : index
    %get3A_4 = vector.load %arg3[%get3A_2, %get3A_3] : memref<4096x1xi32, #tpu.memory_space<vmem>>, vector<4096x1xi32>
    %bitcast_convert_type3A = tpu.bitcast %get3A_1 : vector<4096x128xf32> -> vector<4096x128xi32>
    %and3A = arith.constant 1 : i32
    %and3A_5 = vector.broadcast %and3A : i32 to vector<4096x1xi32>
    %and3A_6 = arith.andi %get3A_4, %and3A_5 : vector<4096x1xi32>
    %eq3A = arith.constant 1 : i32
    %eq3A_7 = vector.broadcast %eq3A : i32 to vector<4096x1xi32>
    %eq3A_8 = arith.cmpi eq, %and3A_6, %eq3A_7 : vector<4096x1xi32>
    %and3A_9 = arith.constant -65536 : i32
    %and3A_10 = vector.broadcast %and3A_9 : i32 to vector<4096x128xi32>
    %and3A_11 = arith.andi %bitcast_convert_type3A, %and3A_10 : vector<4096x128xi32>
    %shift_left3A = arith.constant 16 : i32
    %shift_left3A_12 = vector.broadcast %shift_left3A : i32 to vector<4096x128xi32>
    %shift_left3A_13 = arith.shli %bitcast_convert_type3A, %shift_left3A_12 : vector<4096x128xi32>
    %broadcast_in_dim3A = vector.shape_cast %eq3A_8 : vector<4096x1xi1> to vector<4096x1xi1>
    %broadcast_in_dim3A_14 = vector.broadcast %broadcast_in_dim3A : vector<4096x1xi1> to vector<4096x128xi1>
    %select_n3A = arith.select %broadcast_in_dim3A_14, %and3A_11, %shift_left3A_13 : vector<4096x128xi1>, vector<4096x128xi32>
    %bitcast_convert_type3A_15 = tpu.bitcast %select_n3A : vector<4096x128xi32> -> vector<4096x128xf32>
    %convert_element_type3A = arith.truncf %bitcast_convert_type3A_15 : vector<4096x128xf32> to vector<4096x128xbf16>
    %shift_right_arithmetic3A = arith.constant 13 : i32
    %shift_right_arithmetic3A_16 = vector.broadcast %shift_right_arithmetic3A : i32 to vector<4096x1xi32>
    %shift_right_arithmetic3A_17 = arith.shrsi %get3A_4, %shift_right_arithmetic3A_16 : vector<4096x1xi32>
    %and3A_18 = arith.constant 3 : i32
    %and3A_19 = vector.broadcast %and3A_18 : i32 to vector<4096x1xi32>
    %and3A_20 = arith.andi %shift_right_arithmetic3A_17, %and3A_19 : vector<4096x1xi32>
    %broadcast_in_dim3A_21 = arith.constant 0.000000e+00 : bf16
    %broadcast_in_dim3A_22 = vector.broadcast %broadcast_in_dim3A_21 : bf16 to vector<4096x32xbf16>
    %eq3A_23 = arith.constant 0 : i32
    %eq3A_24 = vector.broadcast %eq3A_23 : i32 to vector<4096x1xi32>
    %eq3A_25 = arith.cmpi eq, %and3A_20, %eq3A_24 : vector<4096x1xi32>
    %convert_element_type3A_26 = arith.extui %eq3A_25 : vector<4096x1xi1> to vector<4096x1xi32>
    %convert_element_type3A_27 = arith.sitofp %convert_element_type3A_26 : vector<4096x1xi32> to vector<4096x1xf32>
    %convert_element_type3A_28 = arith.truncf %convert_element_type3A_27 : vector<4096x1xf32> to vector<4096x1xbf16>
    %slice3A = vector.extract_strided_slice %convert_element_type3A {offsets = [0, 0], sizes = [4096, 32], strides = [1, 1]} : vector<4096x128xbf16> to vector<4096x32xbf16>
    %mul3A = vector.broadcast %convert_element_type3A_28 : vector<4096x1xbf16> to vector<4096x32xbf16>
    %mul3A_29 = arith.mulf %mul3A, %slice3A : vector<4096x32xbf16>
    %add3A = arith.addf %broadcast_in_dim3A_22, %mul3A_29 : vector<4096x32xbf16>
    %eq3A_30 = arith.constant 1 : i32
    %eq3A_31 = vector.broadcast %eq3A_30 : i32 to vector<4096x1xi32>
    %eq3A_32 = arith.cmpi eq, %and3A_20, %eq3A_31 : vector<4096x1xi32>
    %convert_element_type3A_33 = arith.extui %eq3A_32 : vector<4096x1xi1> to vector<4096x1xi32>
    %convert_element_type3A_34 = arith.sitofp %convert_element_type3A_33 : vector<4096x1xi32> to vector<4096x1xf32>
    %convert_element_type3A_35 = arith.truncf %convert_element_type3A_34 : vector<4096x1xf32> to vector<4096x1xbf16>
    %slice3A_36 = vector.extract_strided_slice %convert_element_type3A {offsets = [0, 32], sizes = [4096, 32], strides = [1, 1]} : vector<4096x128xbf16> to vector<4096x32xbf16>
    %mul3A_37 = vector.broadcast %convert_element_type3A_35 : vector<4096x1xbf16> to vector<4096x32xbf16>
    %mul3A_38 = arith.mulf %mul3A_37, %slice3A_36 : vector<4096x32xbf16>
    %add3A_39 = arith.addf %add3A, %mul3A_38 : vector<4096x32xbf16>
    %eq3A_40 = arith.constant 2 : i32
    %eq3A_41 = vector.broadcast %eq3A_40 : i32 to vector<4096x1xi32>
    %eq3A_42 = arith.cmpi eq, %and3A_20, %eq3A_41 : vector<4096x1xi32>
    %convert_element_type3A_43 = arith.extui %eq3A_42 : vector<4096x1xi1> to vector<4096x1xi32>
    %convert_element_type3A_44 = arith.sitofp %convert_element_type3A_43 : vector<4096x1xi32> to vector<4096x1xf32>
    %convert_element_type3A_45 = arith.truncf %convert_element_type3A_44 : vector<4096x1xf32> to vector<4096x1xbf16>
    %slice3A_46 = vector.extract_strided_slice %convert_element_type3A {offsets = [0, 64], sizes = [4096, 32], strides = [1, 1]} : vector<4096x128xbf16> to vector<4096x32xbf16>
    %mul3A_47 = vector.broadcast %convert_element_type3A_45 : vector<4096x1xbf16> to vector<4096x32xbf16>
    %mul3A_48 = arith.mulf %mul3A_47, %slice3A_46 : vector<4096x32xbf16>
    %add3A_49 = arith.addf %add3A_39, %mul3A_48 : vector<4096x32xbf16>
    %eq3A_50 = arith.constant 3 : i32
    %eq3A_51 = vector.broadcast %eq3A_50 : i32 to vector<4096x1xi32>
    %eq3A_52 = arith.cmpi eq, %and3A_20, %eq3A_51 : vector<4096x1xi32>
    %convert_element_type3A_53 = arith.extui %eq3A_52 : vector<4096x1xi1> to vector<4096x1xi32>
    %convert_element_type3A_54 = arith.sitofp %convert_element_type3A_53 : vector<4096x1xi32> to vector<4096x1xf32>
    %convert_element_type3A_55 = arith.truncf %convert_element_type3A_54 : vector<4096x1xf32> to vector<4096x1xbf16>
    %slice3A_56 = vector.extract_strided_slice %convert_element_type3A {offsets = [0, 96], sizes = [4096, 32], strides = [1, 1]} : vector<4096x128xbf16> to vector<4096x32xbf16>
    %mul3A_57 = vector.broadcast %convert_element_type3A_55 : vector<4096x1xbf16> to vector<4096x32xbf16>
    %mul3A_58 = arith.mulf %mul3A_57, %slice3A_56 : vector<4096x32xbf16>
    %add3A_59 = arith.addf %add3A_49, %mul3A_58 : vector<4096x32xbf16>
    %convert_element_type3A_60 = arith.extf %add3A_59 : vector<4096x32xbf16> to vector<4096x32xf32>
    %get3A_61 = arith.constant 0 : index
    %get3A_62 = arith.constant 0 : index
    %get3A_63 = vector.load %arg2[%get3A_61, %get3A_62] : memref<4096x128xf32, #tpu.memory_space<vmem>>, vector<4096x128xf32>
    %get3A_64 = arith.constant 0 : index
    %get3A_65 = arith.constant 0 : index
    %get3A_66 = vector.load %arg4[%get3A_64, %get3A_65] : memref<4096x1xi32, #tpu.memory_space<vmem>>, vector<4096x1xi32>
    %bitcast_convert_type3A_67 = tpu.bitcast %get3A_63 : vector<4096x128xf32> -> vector<4096x128xi32>
    %and3A_68 = arith.constant 1 : i32
    %and3A_69 = vector.broadcast %and3A_68 : i32 to vector<4096x1xi32>
    %and3A_70 = arith.andi %get3A_66, %and3A_69 : vector<4096x1xi32>
    %eq3A_71 = arith.constant 1 : i32
    %eq3A_72 = vector.broadcast %eq3A_71 : i32 to vector<4096x1xi32>
    %eq3A_73 = arith.cmpi eq, %and3A_70, %eq3A_72 : vector<4096x1xi32>
    %and3A_74 = arith.constant -65536 : i32
    %and3A_75 = vector.broadcast %and3A_74 : i32 to vector<4096x128xi32>
    %and3A_76 = arith.andi %bitcast_convert_type3A_67, %and3A_75 : vector<4096x128xi32>
    %shift_left3A_77 = arith.constant 16 : i32
    %shift_left3A_78 = vector.broadcast %shift_left3A_77 : i32 to vector<4096x128xi32>
    %shift_left3A_79 = arith.shli %bitcast_convert_type3A_67, %shift_left3A_78 : vector<4096x128xi32>
    %broadcast_in_dim3A_80 = vector.shape_cast %eq3A_73 : vector<4096x1xi1> to vector<4096x1xi1>
    %broadcast_in_dim3A_81 = vector.broadcast %broadcast_in_dim3A_80 : vector<4096x1xi1> to vector<4096x128xi1>
    %select_n3A_82 = arith.select %broadcast_in_dim3A_81, %and3A_76, %shift_left3A_79 : vector<4096x128xi1>, vector<4096x128xi32>
    %bitcast_convert_type3A_83 = tpu.bitcast %select_n3A_82 : vector<4096x128xi32> -> vector<4096x128xf32>
    %convert_element_type3A_84 = arith.truncf %bitcast_convert_type3A_83 : vector<4096x128xf32> to vector<4096x128xbf16>
    %shift_right_arithmetic3A_85 = arith.constant 13 : i32
    %shift_right_arithmetic3A_86 = vector.broadcast %shift_right_arithmetic3A_85 : i32 to vector<4096x1xi32>
    %shift_right_arithmetic3A_87 = arith.shrsi %get3A_66, %shift_right_arithmetic3A_86 : vector<4096x1xi32>
    %and3A_88 = arith.constant 3 : i32
    %and3A_89 = vector.broadcast %and3A_88 : i32 to vector<4096x1xi32>
    %and3A_90 = arith.andi %shift_right_arithmetic3A_87, %and3A_89 : vector<4096x1xi32>
    %broadcast_in_dim3A_91 = arith.constant 0.000000e+00 : bf16
    %broadcast_in_dim3A_92 = vector.broadcast %broadcast_in_dim3A_91 : bf16 to vector<4096x32xbf16>
    %eq3A_93 = arith.constant 0 : i32
    %eq3A_94 = vector.broadcast %eq3A_93 : i32 to vector<4096x1xi32>
    %eq3A_95 = arith.cmpi eq, %and3A_90, %eq3A_94 : vector<4096x1xi32>
    %convert_element_type3A_96 = arith.extui %eq3A_95 : vector<4096x1xi1> to vector<4096x1xi32>
    %convert_element_type3A_97 = arith.sitofp %convert_element_type3A_96 : vector<4096x1xi32> to vector<4096x1xf32>
    %convert_element_type3A_98 = arith.truncf %convert_element_type3A_97 : vector<4096x1xf32> to vector<4096x1xbf16>
    %slice3A_99 = vector.extract_strided_slice %convert_element_type3A_84 {offsets = [0, 0], sizes = [4096, 32], strides = [1, 1]} : vector<4096x128xbf16> to vector<4096x32xbf16>
    %mul3A_100 = vector.broadcast %convert_element_type3A_98 : vector<4096x1xbf16> to vector<4096x32xbf16>
    %mul3A_101 = arith.mulf %mul3A_100, %slice3A_99 : vector<4096x32xbf16>
    %add3A_102 = arith.addf %broadcast_in_dim3A_92, %mul3A_101 : vector<4096x32xbf16>
    %eq3A_103 = arith.constant 1 : i32
    %eq3A_104 = vector.broadcast %eq3A_103 : i32 to vector<4096x1xi32>
    %eq3A_105 = arith.cmpi eq, %and3A_90, %eq3A_104 : vector<4096x1xi32>
    %convert_element_type3A_106 = arith.extui %eq3A_105 : vector<4096x1xi1> to vector<4096x1xi32>
    %convert_element_type3A_107 = arith.sitofp %convert_element_type3A_106 : vector<4096x1xi32> to vector<4096x1xf32>
    %convert_element_type3A_108 = arith.truncf %convert_element_type3A_107 : vector<4096x1xf32> to vector<4096x1xbf16>
    %slice3A_109 = vector.extract_strided_slice %convert_element_type3A_84 {offsets = [0, 32], sizes = [4096, 32], strides = [1, 1]} : vector<4096x128xbf16> to vector<4096x32xbf16>
    %mul3A_110 = vector.broadcast %convert_element_type3A_108 : vector<4096x1xbf16> to vector<4096x32xbf16>
    %mul3A_111 = arith.mulf %mul3A_110, %slice3A_109 : vector<4096x32xbf16>
    %add3A_112 = arith.addf %add3A_102, %mul3A_111 : vector<4096x32xbf16>
    %eq3A_113 = arith.constant 2 : i32
    %eq3A_114 = vector.broadcast %eq3A_113 : i32 to vector<4096x1xi32>
    %eq3A_115 = arith.cmpi eq, %and3A_90, %eq3A_114 : vector<4096x1xi32>
    %convert_element_type3A_116 = arith.extui %eq3A_115 : vector<4096x1xi1> to vector<4096x1xi32>
    %convert_element_type3A_117 = arith.sitofp %convert_element_type3A_116 : vector<4096x1xi32> to vector<4096x1xf32>
    %convert_element_type3A_118 = arith.truncf %convert_element_type3A_117 : vector<4096x1xf32> to vector<4096x1xbf16>
    %slice3A_119 = vector.extract_strided_slice %convert_element_type3A_84 {offsets = [0, 64], sizes = [4096, 32], strides = [1, 1]} : vector<4096x128xbf16> to vector<4096x32xbf16>
    %mul3A_120 = vector.broadcast %convert_element_type3A_118 : vector<4096x1xbf16> to vector<4096x32xbf16>
    %mul3A_121 = arith.mulf %mul3A_120, %slice3A_119 : vector<4096x32xbf16>
    %add3A_122 = arith.addf %add3A_112, %mul3A_121 : vector<4096x32xbf16>
    %eq3A_123 = arith.constant 3 : i32
    %eq3A_124 = vector.broadcast %eq3A_123 : i32 to vector<4096x1xi32>
    %eq3A_125 = arith.cmpi eq, %and3A_90, %eq3A_124 : vector<4096x1xi32>
    %convert_element_type3A_126 = arith.extui %eq3A_125 : vector<4096x1xi1> to vector<4096x1xi32>
    %convert_element_type3A_127 = arith.sitofp %convert_element_type3A_126 : vector<4096x1xi32> to vector<4096x1xf32>
    %convert_element_type3A_128 = arith.truncf %convert_element_type3A_127 : vector<4096x1xf32> to vector<4096x1xbf16>
    %slice3A_129 = vector.extract_strided_slice %convert_element_type3A_84 {offsets = [0, 96], sizes = [4096, 32], strides = [1, 1]} : vector<4096x128xbf16> to vector<4096x32xbf16>
    %mul3A_130 = vector.broadcast %convert_element_type3A_128 : vector<4096x1xbf16> to vector<4096x32xbf16>
    %mul3A_131 = arith.mulf %mul3A_130, %slice3A_129 : vector<4096x32xbf16>
    %add3A_132 = arith.addf %add3A_122, %mul3A_131 : vector<4096x32xbf16>
    %convert_element_type3A_133 = arith.extf %add3A_132 : vector<4096x32xbf16> to vector<4096x32xf32>
    %get3A_134 = arith.constant 0 : index
    %get3A_135 = arith.constant 0 : index
    %get3A_136 = vector.load %arg5[%get3A_134, %get3A_135] : memref<32x128xf32, #tpu.memory_space<vmem>>, vector<32x128xf32>
    %dot_general3A = arith.constant dense<0.000000e+00> : vector<4096x128xf32>
    %dot_general3A_137 = tpu.matmul %convert_element_type3A_60, %get3A_136, %dot_general3A {dimension_numbers = #tpu.dot_dimension_numbers<[1], [0], [0], [1], [0, 0, 1, 1], [], []>, transpose_lhs_hint = false} : vector<4096x32xf32>, vector<32x128xf32>, vector<4096x128xf32> -> vector<4096x128xf32>
    %get3A_138 = arith.constant 0 : index
    %get3A_139 = arith.constant 0 : index
    %get3A_140 = vector.load %arg6[%get3A_138, %get3A_139] : memref<32x128xf32, #tpu.memory_space<vmem>>, vector<32x128xf32>
    %dot_general3A_141 = arith.constant dense<0.000000e+00> : vector<4096x128xf32>
    %dot_general3A_142 = tpu.matmul %convert_element_type3A_133, %get3A_140, %dot_general3A_141 {dimension_numbers = #tpu.dot_dimension_numbers<[1], [0], [0], [1], [0, 0, 1, 1], [], []>, transpose_lhs_hint = false} : vector<4096x32xf32>, vector<32x128xf32>, vector<4096x128xf32> -> vector<4096x128xf32>
    %add3A_143 = arith.addf %dot_general3A_137, %dot_general3A_142 : vector<4096x128xf32>
    %get3A_144 = arith.constant 0 : index
    %get3A_145 = arith.constant 0 : index
    %get3A_146 = vector.load %arg7[%get3A_144, %get3A_145] : memref<1x128xf32, #tpu.memory_space<vmem>>, vector<1x128xf32>
    %add3A_147 = vector.broadcast %get3A_146 : vector<1x128xf32> to vector<4096x128xf32>
    %add3A_148 = arith.addf %add3A_143, %add3A_147 : vector<4096x128xf32>
    %max3A = arith.constant 0.000000e+00 : f32
    %max3A_149 = vector.broadcast %max3A : f32 to vector<4096x128xf32>
    %max3A_150 = arith.maximumf %add3A_148, %max3A_149 : vector<4096x128xf32>
    %get3A_151 = arith.constant 0 : index
    %get3A_152 = arith.constant 0 : index
    %get3A_153 = vector.load %arg8[%get3A_151, %get3A_152] : memref<128x64xf32, #tpu.memory_space<vmem>>, vector<128x64xf32>
    %dot_general3A_154 = arith.constant dense<0.000000e+00> : vector<4096x64xf32>
    %dot_general3A_155 = tpu.matmul %max3A_150, %get3A_153, %dot_general3A_154 {dimension_numbers = #tpu.dot_dimension_numbers<[1], [0], [0], [1], [0, 0, 1, 1], [], []>, transpose_lhs_hint = false} : vector<4096x128xf32>, vector<128x64xf32>, vector<4096x64xf32> -> vector<4096x64xf32>
    %get3A_156 = arith.constant 0 : index
    %get3A_157 = arith.constant 0 : index
    %get3A_158 = vector.load %arg9[%get3A_156, %get3A_157] : memref<1x64xf32, #tpu.memory_space<vmem>>, vector<1x64xf32>
    %add3A_159 = vector.broadcast %get3A_158 : vector<1x64xf32> to vector<4096x64xf32>
    %add3A_160 = arith.addf %dot_general3A_155, %add3A_159 : vector<4096x64xf32>
    %max3A_161 = arith.constant 0.000000e+00 : f32
    %max3A_162 = vector.broadcast %max3A_161 : f32 to vector<4096x64xf32>
    %max3A_163 = arith.maximumf %add3A_160, %max3A_162 : vector<4096x64xf32>
    %get3A_164 = arith.constant 0 : index
    %get3A_165 = arith.constant 0 : index
    %get3A_166 = vector.load %arg10[%get3A_164, %get3A_165] : memref<64x1xf32, #tpu.memory_space<vmem>>, vector<64x1xf32>
    %dot_general3A_167 = arith.constant dense<0.000000e+00> : vector<4096x1xf32>
    %dot_general3A_168 = tpu.matmul %max3A_163, %get3A_166, %dot_general3A_167 {dimension_numbers = #tpu.dot_dimension_numbers<[1], [0], [0], [1], [0, 0, 1, 1], [], []>, transpose_lhs_hint = false} : vector<4096x64xf32>, vector<64x1xf32>, vector<4096x1xf32> -> vector<4096x1xf32>
    %get3A_169 = arith.constant 0 : index
    %get3A_170 = arith.constant 0 : index
    %get3A_171 = vector.load %arg11[%get3A_169, %get3A_170] : memref<1x1xf32, #tpu.memory_space<vmem>>, vector<1x1xf32>
    %add3A_172 = vector.broadcast %get3A_171 : vector<1x1xf32> to vector<4096x1xf32>
    %add3A_173 = arith.addf %dot_general3A_168, %add3A_172 : vector<4096x1xf32>
    %logistic3A = arith.negf %add3A_173 : vector<4096x1xf32>
    %logistic3A_174 = math.exp %logistic3A : vector<4096x1xf32>
    %logistic3A_175 = arith.constant 1.000000e+00 : f32
    %logistic3A_176 = vector.broadcast %logistic3A_175 : f32 to vector<4096x1xf32>
    %logistic3A_177 = arith.addf %logistic3A_176, %logistic3A_174 : vector<4096x1xf32>
    %logistic3A_178 = arith.divf %logistic3A_176, %logistic3A_177 : vector<4096x1xf32>
    %swap3A = arith.constant 0 : index
    %swap3A_179 = arith.constant 0 : index
    %swap3A_180 = vector.load %arg12[%swap3A, %swap3A_179] : memref<4096x1xf32, #tpu.memory_space<vmem>>, vector<4096x1xf32>
    tpu.vector_store %arg12[%swap3A, %swap3A_179], %logistic3A_178 {strides = array<i32>} : memref<4096x1xf32, #tpu.memory_space<vmem>>, vector<4096x1xf32>,
    return
  }
  func.func @transform_0(%arg0: i32) -> (i32, i32) {
    %c0_i32 = arith.constant 0 : i32
    %c0_i32_0 = arith.constant 0 : i32
    return %arg0, %c0_i32 : i32, i32
  }
  func.func @transform_1(%arg0: i32) -> (i32, i32) {
    %c0_i32 = arith.constant 0 : i32
    %c0_i32_0 = arith.constant 0 : i32
    return %arg0, %c0_i32 : i32, i32
  }
  func.func @transform_2(%arg0: i32) -> (i32, i32) {
    %c0_i32 = arith.constant 0 : i32
    %c0_i32_0 = arith.constant 0 : i32
    return %arg0, %c0_i32 : i32, i32
  }
  func.func @transform_3(%arg0: i32) -> (i32, i32) {
    %c0_i32 = arith.constant 0 : i32
    %c0_i32_0 = arith.constant 0 : i32
    return %arg0, %c0_i32 : i32, i32
  }
  func.func @transform_4(%arg0: i32) -> (i32, i32) {
    %c0_i32 = arith.constant 0 : i32
    %c0_i32_0 = arith.constant 0 : i32
    %c0_i32_1 = arith.constant 0 : i32
    return %c0_i32, %c0_i32_0 : i32, i32
  }
  func.func @transform_5(%arg0: i32) -> (i32, i32) {
    %c0_i32 = arith.constant 0 : i32
    %c0_i32_0 = arith.constant 0 : i32
    %c0_i32_1 = arith.constant 0 : i32
    return %c0_i32, %c0_i32_0 : i32, i32
  }
  func.func @transform_6(%arg0: i32) -> (i32, i32) {
    %c0_i32 = arith.constant 0 : i32
    %c0_i32_0 = arith.constant 0 : i32
    %c0_i32_1 = arith.constant 0 : i32
    return %c0_i32, %c0_i32_0 : i32, i32
  }
  func.func @transform_7(%arg0: i32) -> (i32, i32) {
    %c0_i32 = arith.constant 0 : i32
    %c0_i32_0 = arith.constant 0 : i32
    %c0_i32_1 = arith.constant 0 : i32
    return %c0_i32, %c0_i32_0 : i32, i32
  }
  func.func @transform_8(%arg0: i32) -> (i32, i32) {
    %c0_i32 = arith.constant 0 : i32
    %c0_i32_0 = arith.constant 0 : i32
    %c0_i32_1 = arith.constant 0 : i32
    return %c0_i32, %c0_i32_0 : i32, i32
  }
  func.func @transform_9(%arg0: i32) -> (i32, i32) {
    %c0_i32 = arith.constant 0 : i32
    %c0_i32_0 = arith.constant 0 : i32
    %c0_i32_1 = arith.constant 0 : i32
    return %c0_i32, %c0_i32_0 : i32, i32
  }
  func.func @transform_10(%arg0: i32) -> (i32, i32) {
    %c0_i32 = arith.constant 0 : i32
    %c0_i32_0 = arith.constant 0 : i32
    %c0_i32_1 = arith.constant 0 : i32
    return %c0_i32, %c0_i32_0 : i32, i32
  }
  func.func @transform_11(%arg0: i32) -> (i32, i32) {
    %c0_i32 = arith.constant 0 : i32
    %c0_i32_0 = arith.constant 0 : i32
    return %arg0, %c0_i32 : i32, i32
  }
}

</mosaic_0001>

<sc_bundles>
// kernel: kernel.10.cloned.1.call-start
scs
__scs_entry_jumppad:
0x0: {  	(pc) =	sbr.rel $0x88, $3  }
0x1: {  	(tag) =	ssettag $0x0;
	lr =	simm.s32 $0x1  }
0x2: {  	[smem:$0x3F97] =	sst lr;
	_ =	strace $0xD0000000  }
0x3: {  	_ = 	snop  }
0x4: {  	_ = 	snop  }
0x5: {  	_ = 	snop  }
0x6: {  	_ = 	snop  }
0x7: {  	_ = 	snop  }
__scs_overlays_trampoline_lowered:
0x8: {  	[smem:$0x3FA6] =	sst s0  }
0x9: {  	[smem:$0x3FA7] =	sst s1  }
0xa: {  	[smem:$0x3FA8] =	sst s2  }
0xb: {  	[smem:$0x3FA9] =	sst s3  }
0xc: {  	[smem:$0x3FAA] =	sst s4  }
0xd: {  	[smem:$0x3FAB] =	sst s5  }
0xe: {  	[smem:$0x3FAC] =	sst s6  }
0xf: {  	[smem:$0x3FAD] =	sst s7  }
0x10: {  	[smem:$0x3FAE] =	sst s8  }
0x11: {  	[smem:$0x3FAF] =	sst s9;
	s0 =	simm.s32 @!p0 $0x0  }
0x12: {  	s1 =	sld [smem:$0x3F95];
	s0 =	simm.s32 @p0 $0x1  }
0x13: {  	[smem:$0x3FB0] =	sst s0;
	s0 =	simm.s32 @!p1 $0x0  }
0x14: {  	s2 =	sld [smem:$0x3F94];
	s0 =	simm.s32 @p1 $0x1  }
0x15: {  	[smem:$0x3FB1] =	sst s0;
	s0 =	simm.s32 @!p2 $0x0  }
0x16: {  	s3 =	sld [smem:$0x3FDB];
	s0 =	simm.s32 @p2 $0x1  }
0x17: {  	s4 =	simm.s32 $0x1BF5;
	[smem:$0x3FB3] =	sst s0  }
0x18: {  	s0 =	sld [smem:$0x3F96];
	_ =	swait.ge [sflag:s4], $0x0  }
0x19: {  	s7 =	sld [smem:$0x3F97]  }
0x1a: {  	s8 =	sadd.s32 $0xFFFFE003, lr  }
0x1b: {  	s9 =	sadd.s32 $0xFFFFFEF7, lr;
	s5 =	simm.s32 $0xFFFFFFFF;
	p2 =	slt.u32 s8, $0xFFFFF086  }
0x1c: {  	p1 =	slt.u32 s9, $0xF7A;
	s5 =	simm.s32 @!p2 $0x0  }
0x1d: {  	s5 =	simm.s32 @p1 $0x1;
	p0 =	seq.s32 s7, s2  }
0x1e: {  	s7 =	smul.u32 @!p0 $0xF7A, s2;
	p2 =	seq.s32 @!p0 s5, $0x0  }
0x1f: {  	s9 =	smul.u32 $0xF7A, s1;
	s8 =	simm.s32 @!p0 $0x1BF5;
	p2 =	por !p2, p0  }
0x20: {  	[sflag:s8] =	ssyncset.s32 @!p0 $0xFFFFF086;
	s6 =	sadd.s32 @!p0 s3, s7;
	s7 =	simm.s32 @!p0 $0x108  }
0x21: {  	s3 =	sadd.s32 s3, s9;
	s6 =	sadd.s32 @!p0 $0x88, s6;
	s7 =	simm.s32 @p2 $0x1082  }
0x22: {  	[simem:s7], [sflag:s8] =	dma.local @!p0 [hbm:s6], $0xF7A  }
0x23: {  	s9 =	sor.u32 $0xD0000000, s2;
	s6 =	simm.s32 $0x108;
	_ =	swait.ge @!p0 [sflag:s8], $0x0  }
0x24: {  	s3 =	sadd.s32 $0x88, s3;
	s6 =	simm.s32 @!p1 $0x1082;
	[sflag:s4] =	ssyncset.s32 $0xFFFFF086  }
0x25: {  	[simem:s6], [sflag:s4] =	dma.local [hbm:s3], $0xF7A  }
0x26: {  	[smem:$0x3F97] =	sst s1;
	(tag) =	ssettag s2;
	_ =	strace s9  }
0x27: {  	s1 =	sld [smem:$0x3FA7]  }
0x28: {  	s2 =	sld [smem:$0x3FA8]  }
0x29: {  	s4 =	sld [smem:$0x3FAA]  }
0x2a: {  	p0 =	seq.s32 s5, $0x0;
	s5 =	sld [smem:$0x3FAB]  }
0x2b: {  	s6 =	sld [smem:$0x3FAC]  }
0x2c: {  	s7 =	sld [smem:$0x3FAD]  }
0x2d: {  	s3 =	simm.s32 $0x108;
	s8 =	sld [smem:$0x3FAE]  }
0x2e: {  	s3 =	simm.s32 @!p0 $0x1082;
	s9 =	sld [smem:$0x3FAF]  }
0x2f: {  	lr =	sadd.s32 s0, s3;
	s0 =	sld [smem:$0x3FA6]  }
0x30: {  	s3 =	sld [smem:$0x3FA9]  }
0x31: {  	[smem:$0x3FB2] =	sst s10  }
0x32: {  	s10 =	sld [smem:$0x3FB0];
	_ =	sdelay $0x3  }
0x33: {  	p0 =	seq.s32 s10, $0x1;
	s10 =	sld [smem:$0x3FB2];
	_ =	sdelay $0x3  }
0x34: {  	[smem:$0x3FB2] =	sst s10  }
0x35: {  	s10 =	sld [smem:$0x3FB1];
	_ =	sdelay $0x3  }
0x36: {  	p1 =	seq.s32 s10, $0x1;
	s10 =	sld [smem:$0x3FB2];
	_ =	sdelay $0x3  }
0x37: {  	[smem:$0x3FB2] =	sst s10  }
0x38: {  	s10 =	sld [smem:$0x3FB3]  }
0x39: {  	_ = 	snop;
	(pc) =	sbr.ind lr, $3  }
0x3a: {  	_ = 	snop  }
0x3b: {  	_ = 	snop  }
0x3c: {  	p2 =	seq.s32 s10, $0x1;
	s10 =	sld [smem:$0x3FB2]  }
0x3d: {  	_ =	shalt  }
0x3e: {  	_ =	shalt  }
0x3f: {  	_ =	shalt  }
0x40: {  	_ =	shalt  }
0x41: {  	_ =	shalt  }
0x42: {  	_ =	shalt  }
0x43: {  	_ =	shalt  }
0x44: {  	_ =	shalt  }
0x45: {  	_ =	shalt  }
0x46: {  	_ =	shalt  }
0x47: {  	_ =	shalt  }
0x48: {  	_ =	shalt  }
0x49: {  	_ =	shalt  }
0x4a: {  	_ =	shalt  }
0x4b: {  	_ =	shalt  }
0x4c: {  	_ =	shalt  }
0x4d: {  	_ =	shalt  }
0x4e: {  	_ =	shalt  }
0x4f: {  	_ =	shalt  }
0x50: {  	_ =	shalt  }
0x51: {  	_ =	shalt  }
0x52: {  	_ =	shalt  }
0x53: {  	_ =	shalt  }
0x54: {  	_ =	shalt  }
0x55: {  	_ =	shalt  }
0x56: {  	_ =	shalt  }
0x57: {  	_ =	shalt  }
0x58: {  	_ =	shalt  }
0x59: {  	_ =	shalt  }
0x5a: {  	_ =	shalt  }
0x5b: {  	_ =	shalt  }
0x5c: {  	_ =	shalt  }
0x5d: {  	_ =	shalt  }
0x5e: {  	_ =	shalt  }
0x5f: {  	_ =	shalt  }
0x60: {  	_ =	shalt  }
0x61: {  	_ =	shalt  }
0x62: {  	_ =	shalt  }
0x63: {  	_ =	shalt  }
0x64: {  	_ =	shalt  }
0x65: {  	_ =	shalt  }
0x66: {  	_ =	shalt  }
0x67: {  	_ =	shalt  }
0x68: {  	_ =	shalt  }
0x69: {  	_ =	shalt  }
0x6a: {  	_ =	shalt  }
0x6b: {  	_ =	shalt  }
0x6c: {  	_ =	shalt  }
0x6d: {  	_ =	shalt  }
0x6e: {  	_ =	shalt  }
0x6f: {  	_ =	shalt  }
0x70: {  	_ =	shalt  }
0x71: {  	_ =	shalt  }
0x72: {  	_ =	shalt  }
0x73: {  	_ =	shalt  }
0x74: {  	_ =	shalt  }
0x75: {  	_ =	shalt  }
0x76: {  	_ =	shalt  }
0x77: {  	_ =	shalt  }
0x78: {  	_ =	shalt  }
0x79: {  	_ =	shalt  }
0x7a: {  	_ =	shalt  }
0x7b: {  	_ =	shalt  }
0x7c: {  	_ =	shalt  }
0x7d: {  	_ =	shalt  }
0x7e: {  	_ =	shalt  }
0x7f: {  	_ =	shalt  }
0x80: {  	_ =	shalt  }
0x81: {  	_ =	shalt  }
0x82: {  	_ =	shalt  }
0x83: {  	_ =	shalt  }
0x84: {  	_ =	shalt  }
0x85: {  	_ =	shalt  }
0x86: {  	_ =	shalt  }
0x87: {  	_ =	shalt  }
.Lfunc_end0:
.L_simem_size_0:
called_computation.1_lowered:
.L_overlay_start_0:
0x88: {  	s2 =	sld [smem:$0x3FD9]  }
0x89: {  	s3 =	sld [smem:$0x3FFE];
	_ =	sdelay $0x1  }
0x8a: {  	s1 =	srdreg.scid  }
0x8b: {  	s0 =	sand.u32 $0x1, s1  }
0x8c: {  	s17 =	sshll.u32 s0, $0xA;
	s2 =	sadd.s32 s3, s2  }
0x8d: {  	s2 =	sadd.s32 s2, s17  }
0x8e: {  	[smem:$0x3FBE] =	sst s2  }
0x8f: {  	_ = 	snop  }
0x90: {  	s2 =	sld [smem:$0x3FC8];
	(tm) =	ssettm $0x1  }
0x91: {  	s18 =	sld [smem:$0x3FFB];
	_ =	sdelay $0x3  }
0x92: {  	_ =	strace s18  }
0x93: {  	s3 =	sld [smem:$0x3FFC];
	_ =	sdelay $0x3  }
0x94: {  	_ =	strace s3  }
0x95: {  	s3 =	sld [smem:$0x3FFD];
	_ =	sdelay $0x3  }
0x96: {  	_ =	strace s3  }
0x97: {  	_ =	strace $0x8FFFFFFF  }
0x98: {  	s19 =	sld [smem:$0x3FDB];
	_ =	sdelay $0x1  }
0x99: {  	s4 =	simm.s32 $_scs_section_size  }
0x9a: {  	s5 =	simm.s32 $_size__tile_overlayer_lowered;
	s6 =	simm.s32 $_tile_overlayer_lowered  }
0x9b: {  	s22 =	simm.s32 $0x1BFF;
	s21 =	sshll.u32 s6, $0x1;
	s3 =	sadd.s32 s4, s19  }
0x9c: {  	s7 =	simm.s32 $0x0;
	s20 =	sshll.u32 s5, $0x1;
	s5 =	sadd.s32 s21, s3  }
0x9d: {  	[timem:s7], [sflag:s22] =	dma.local [hbm:s5], s20  }
0x9e: {  	_ =	swait.ge [sflag:s22], s20  }
0x9f: {  	s4 =	ssub.s32 $0x0, s20;
	[sflag:s22] =	ssyncset.done $0x0  }
0xa0: {  	[sflag:s22] =	ssyncadd.s32 s4;
	_ =	sdelay $0x1  }
0xa1: {  	s23 =	simm.s32 $0x1B8B  }
0xa2: {  	_ =	swait.ge [sflag:s23], $0x1  }
0xa3: {  	[sflag:s23] =	ssyncset.done $0x0  }
0xa4: {  	s25 =	simm.s32 $0x1B8E;
	s24 =	sld [smem:$0x3FFE];
	[sflag:s23] =	ssyncadd.s32 $0xFFFFFFFF  }
0xa5: {  	s26 =	simm.s32 $execute0_lowered;
	[smem:$0x3FD2] =	sst s25  }
0xa6: {  	s5 =	sshll.u32 s26, $0x1;
	_ =	strace $0x80000046;
	[dreg:$0x1] =	wrdreg $0xFFFFFFFF  }
0xa7: {  	s28 =	simm.s32 $_size_execute0_lowered;
	s3 =	sadd.s32 s3, s5;
	[dreg:$0x0] =	wrdreg $0x0  }
0xa8: {  	s5 =	sshll.u32 s28, $0x1;
	[dreg:$0x2] =	wrdreg s3  }
0xa9: {  	[dreg:$0x3] =	wrdreg s5  }
0xaa: {  	[dreg:$0x4] =	wrdreg $0xC0  }
0xab: {  	_ =	task [dreg:s7], $0x5FFFF  }
0xac: {  	[dreg:$0x1] =	wrdreg $0xFFFFFFFF  }
0xad: {  	[dreg:$0x0] =	wrdreg $0x60  }
0xae: {  	[dreg:$0x2] =	wrdreg s2  }
0xaf: {  	[dreg:$0x3] =	wrdreg s24  }
0xb0: {  	[dreg:$0x4] =	wrdreg $0xA  }
0xb1: {  	_ =	task.clear_ibuf [dreg:s7], $0x5FFFF;
	_ =	strace $0x90000046  }
0xb2: {  	s29 =	simm.s32 $0xA;
	_ =	strace $0x80000048  }
0xb3: {  	_ =	swait.ge [sflag:s29], $0x1  }
0xb4: {  	[sflag:s29] =	ssyncadd.s32 $0xFFFFFFFF  }
0xb5: {  	_ =	strace $0x90000048  }
0xb6: {  	_ =	sfence  }
0xb7: {  	s30 =	sld [smem:$0x0];
	_ =	sdelay $0x2  }
0xb8: {  	s31 =	sshll.u32 s1, $0xD;
	s1 =	sshrl.u32 s1, $0x2  }
0xb9: {  	s3 =	sand.u32 $0x4000, s31;
	s1 =	sadd.s32 s1, s30  }
0xba: {  	s0 =	sor.u32 s3, s0;
	s1 =	sshll.u32 s1, $0x11  }
0xbb: {  	s0 =	sor.u32 s1, s0  }
0xbc: {  	s0 =	sadd.s32 $0x8F2B, s0  }
0xbd: {  	[sflag:s0] =	ssyncadd.remote.s32 $0x1  }
0xbe: {  	_ =	sfence.sel $0xFFFF  }
0xbf: {  	[dreg:$0x0] =	wrdreg $0xFFFFFFFF;
	(pc) =	sbr.abs _section_cstart, $3  }
0xc0: {  	[dreg:$0x1] =	wrdreg $0xFFFFFFFF  }
0xc1: {  	_ =	task.clear_ibuf [dreg:s7], $0x2FFFF;
	_ =	strace $0x9FFFFFFF  }
0xc2: {  	(tm) =	ssettm $0x7FFFFFFF  }
0xc3: {  	_ =	shalt  }
tec
execute0_lowered:
.L_overlay_start_1:
0x0: {  	(tag) =	ssettag $0x1  }
0x1: {  	s4 =	rddreg [dreg:$0x0]  }
0x2: {  	s5 =	rddreg [dreg:$0x1]  }
0x3: {  	s0 =	rddreg [dreg:$0x2]  }
0x4: {  	s3 =	srdreg.scid;
	s2 =	simm.s32 $0x0;
	s1 =	stileid.u32  }
0x5: {  	s9 =	simm.s32 $0x400;
	s10 =	simm.s32 $0x1;
	s11 =	simm.s32 $0x0  }
0x6: {  	s6 =	sand.u32 $0x1, s3;
	[smem:$0x7FF] =	sst s2;
	s30 =	sshll.u32 s1, $0xA  }
0x7: {  	s3 =	sadd.s32 $0x1A00, s5;
	s7 =	sshll.u32 s6, $0x9;
	s6 =	ssub.s32 $0x2, s6  }
0x8: {  	_ =	strace $0x80000047;
	s7 =	sor.u32 s7, s30;
	s31 =	sshrl.u32 s6, $0x1  }
0x9: {  	s8 =	sshll.u32 s7, $0x4;
	s7 =	sshrl.u32 s7, $0x3;
	s6 =	ssub.s32 s6, s31  }
0xa: {  	s5 =	sadd.s32 s8, s5;
	s4 =	sadd.s32 s4, s7;
	s6 =	smax.u32 s6, $0x1  }
0xb: {  	s7 =	simm.s32 $0x2;
	s8 =	simm.s32 $0x200;
	s5 =	sadd.s32 $0x1F1A00, s5  }
.LBB2_1:
0xc: {  	[tilespmem:s2], [sflag:$0x2] =	stream.linear.gather [hbm4b:s4+s2], $0x200, $0x38;
	[tilespmem:$0x10400] =	vst v63  }
0xd: {  	_ =	swait.ge [sflag:s7], $0x200  }
0xe: {  	[sflag:s7] =	ssyncset.done $0x0  }
0xf: {  	s12 =	simm.s32 $0x0;
	[sflag:s7] =	ssyncadd.s32 $0xFFFFFE00  }
0x10: {  	v0 =	vld [tilespmem:s12+$0x0];
	_ =	sdelay $0x2  }
0x11: {  	s13 =	simm.s32 $0x40  }
.LBB2_2:
0x12: {  	p0 =	sne.s32 s13, $0x7C0  }
.Ltmp0:
0x13: {  	s14 =	sshra.s32 s13, $0x2;
	s13 =	sadd.s32 $0x40, s13;
	v1 =	vshra.s32 v0, $0x2;
	(pc) =	sbr.rel @p0 .LBB2_2-.Ltmp0, $4  }
0x14: {  	v2 =	vand.u32 $0x1FFE, v0;
	v1 =	vand.u32 $0xFFFFE000, v1;
	v0 =	vld [tilespmem:s14+$0x0]  }
0x15: {  	v1 =	vor.u32 v2, v1  }
0x16: {  	v1 =	vshra.s32 v1, $0x1  }
0x17: {  	[tilespmem:s12+$0x200] =	vst v1;
	s12 =	smov.u32 s14  }
0x18: {  	_ = 	snop  }
0x19: {  	v1 =	vshra.s32 v0, $0x2  }
0x1a: {  	v63 =	vand.u32 $0x1FFE, v0;
	v1 =	vand.u32 $0xFFFFE000, v1  }
0x1b: {  	v0 =	vor.u32 v63, v1  }
0x1c: {  	v0 =	vshra.s32 v0, $0x1  }
0x1d: {  	[tilespmem:s12+$0x200] =	vst v0  }
0x1e: {  	[tilespmem:s9], [sflag:$0x1] =	stream.indirect.gather [hbm4b:s3+s8], $0x80, s8, s8, $0xb8;
	[tilespmem:$0x10400] =	vst v63  }
0x1f: {  	s11 =	sadd.s32 $0x1, s11;
	_ =	swait.ge [sflag:s10], $0x10000  }
0x20: {  	p0 =	sne.s32 s11, s6;
	[sflag:s10] =	ssyncset.done $0x0  }
.Ltmp1:
0x21: {  	[sflag:s10] =	ssyncadd.s32 $0xFFFF0000;
	(pc) =	sbr.rel @p0 .LBB2_1-.Ltmp1, $4  }
0x22: {  	[hbm4b:s5+s2] =	stream.linear.scatter [tilespmem:s9], [sflag:$0x2], $0x10000, $0x38;
	[tilespmem:$0x10400] =	vst v63  }
0x23: {  	_ =	swait.ge [sflag:s7], $0x10000  }
0x24: {  	[sflag:s7] =	ssyncset.done $0x0  }
0x25: {  	[sflag:s7] =	ssyncadd.s32 $0xFFFF0000  }
0x26: {  	_ =	sfence.sel $0x180000  }
0x27: {  	[bflag:$0x0] =	sbarrier.arrive $0xFFFF  }
0x28: {  	p0 =	sne.s32 s1, $0x0;
	_ =	strace $0x90000047  }
0x29: {  	s0 =	sadd.s32 @!p0 $0x100000, s0;
	[bflag:$0x2] =	sbarrier.arrive $0xFFFF  }
0x2a: {  	[sflag:s0] =	ssyncadd.tile.s32 @!p0 $0x1;
	_ =	shalt  }
.Lfunc_end2:
_tile_overlayer_lowered:
.L_overlay_start_2:
0x2b: {  	(tag) =	ssettag $0x2  }
0x2c: {  	s0 =	rddreg [dreg:$0x0];
	s2 =	stileid.u32  }
0x2d: {  	s1 =	rddreg [dreg:$0x1];
	p0 =	sne.s32 s2, $0x0  }
0x2e: {  	s3 =	rddreg [dreg:$0x2];
	[bflag:$0x3] =	sbarrier.arrive $0xFFFF;
	s2 =	simm.s32 @!p0 $0x1C02  }
0x2f: {  	[timem:s3], [sflag:s2] =	dma.local @!p0 [hbm:s0], s1  }
0x30: {  	s0 =	simm.s32 @!p0 $0x2  }
0x31: {  	_ =	swait.ge @!p0 [sflag:s0], s1  }
0x32: {  	s1 =	ssub.s32 @!p0 $0x0, s1;
	[sflag:s0] =	ssyncset.done @!p0 $0x0  }
0x33: {  	[sflag:s0] =	ssyncadd.s32 @!p0 s1  }
0x34: {  	[bflag:$0x3] =	sbarrier.arrive $0xFFFF  }
0x35: {  	_ =	shalt  }

// kernel: kernel.7.cloned.1.call-start
scs
__scs_entry_jumppad:
0x0: {  	(pc) =	sbr.rel $0x88, $3  }
0x1: {  	(tag) =	ssettag $0x0;
	lr =	simm.s32 $0x1  }
0x2: {  	[smem:$0x3F97] =	sst lr;
	_ =	strace $0xD0000000  }
0x3: {  	_ = 	snop  }
0x4: {  	_ = 	snop  }
0x5: {  	_ = 	snop  }
0x6: {  	_ = 	snop  }
0x7: {  	_ = 	snop  }
__scs_overlays_trampoline_lowered:
0x8: {  	[smem:$0x3FA6] =	sst s0  }
0x9: {  	[smem:$0x3FA7] =	sst s1  }
0xa: {  	[smem:$0x3FA8] =	sst s2  }
0xb: {  	[smem:$0x3FA9] =	sst s3  }
0xc: {  	[smem:$0x3FAA] =	sst s4  }
0xd: {  	[smem:$0x3FAB] =	sst s5  }
0xe: {  	[smem:$0x3FAC] =	sst s6  }
0xf: {  	[smem:$0x3FAD] =	sst s7  }
0x10: {  	[smem:$0x3FAE] =	sst s8  }
0x11: {  	[smem:$0x3FAF] =	sst s9;
	s0 =	simm.s32 @!p0 $0x0  }
0x12: {  	s1 =	sld [smem:$0x3F95];
	s0 =	simm.s32 @p0 $0x1  }
0x13: {  	[smem:$0x3FB0] =	sst s0;
	s0 =	simm.s32 @!p1 $0x0  }
0x14: {  	s2 =	sld [smem:$0x3F94];
	s0 =	simm.s32 @p1 $0x1  }
0x15: {  	[smem:$0x3FB1] =	sst s0;
	s0 =	simm.s32 @!p2 $0x0  }
0x16: {  	s3 =	sld [smem:$0x3FDB];
	s0 =	simm.s32 @p2 $0x1  }
0x17: {  	s4 =	simm.s32 $0x1BF5;
	[smem:$0x3FB3] =	sst s0  }
0x18: {  	s0 =	sld [smem:$0x3F96];
	_ =	swait.ge [sflag:s4], $0x0  }
0x19: {  	s7 =	sld [smem:$0x3F97]  }
0x1a: {  	s8 =	sadd.s32 $0xFFFFE003, lr  }
0x1b: {  	s9 =	sadd.s32 $0xFFFFFEF7, lr;
	s5 =	simm.s32 $0xFFFFFFFF;
	p2 =	slt.u32 s8, $0xFFFFF086  }
0x1c: {  	p1 =	slt.u32 s9, $0xF7A;
	s5 =	simm.s32 @!p2 $0x0  }
0x1d: {  	s5 =	simm.s32 @p1 $0x1;
	p0 =	seq.s32 s7, s2  }
0x1e: {  	s7 =	smul.u32 @!p0 $0xF7A, s2;
	p2 =	seq.s32 @!p0 s5, $0x0  }
0x1f: {  	s9 =	smul.u32 $0xF7A, s1;
	s8 =	simm.s32 @!p0 $0x1BF5;
	p2 =	por !p2, p0  }
0x20: {  	[sflag:s8] =	ssyncset.s32 @!p0 $0xFFFFF086;
	s6 =	sadd.s32 @!p0 s3, s7;
	s7 =	simm.s32 @!p0 $0x108  }
0x21: {  	s3 =	sadd.s32 s3, s9;
	s6 =	sadd.s32 @!p0 $0x88, s6;
	s7 =	simm.s32 @p2 $0x1082  }
0x22: {  	[simem:s7], [sflag:s8] =	dma.local @!p0 [hbm:s6], $0xF7A  }
0x23: {  	s9 =	sor.u32 $0xD0000000, s2;
	s6 =	simm.s32 $0x108;
	_ =	swait.ge @!p0 [sflag:s8], $0x0  }
0x24: {  	s3 =	sadd.s32 $0x88, s3;
	s6 =	simm.s32 @!p1 $0x1082;
	[sflag:s4] =	ssyncset.s32 $0xFFFFF086  }
0x25: {  	[simem:s6], [sflag:s4] =	dma.local [hbm:s3], $0xF7A  }
0x26: {  	[smem:$0x3F97] =	sst s1;
	(tag) =	ssettag s2;
	_ =	strace s9  }
0x27: {  	s1 =	sld [smem:$0x3FA7]  }
0x28: {  	s2 =	sld [smem:$0x3FA8]  }
0x29: {  	s4 =	sld [smem:$0x3FAA]  }
0x2a: {  	p0 =	seq.s32 s5, $0x0;
	s5 =	sld [smem:$0x3FAB]  }
0x2b: {  	s6 =	sld [smem:$0x3FAC]  }
0x2c: {  	s7 =	sld [smem:$0x3FAD]  }
0x2d: {  	s3 =	simm.s32 $0x108;
	s8 =	sld [smem:$0x3FAE]  }
0x2e: {  	s3 =	simm.s32 @!p0 $0x1082;
	s9 =	sld [smem:$0x3FAF]  }
0x2f: {  	lr =	sadd.s32 s0, s3;
	s0 =	sld [smem:$0x3FA6]  }
0x30: {  	s3 =	sld [smem:$0x3FA9]  }
0x31: {  	[smem:$0x3FB2] =	sst s10  }
0x32: {  	s10 =	sld [smem:$0x3FB0];
	_ =	sdelay $0x3  }
0x33: {  	p0 =	seq.s32 s10, $0x1;
	s10 =	sld [smem:$0x3FB2];
	_ =	sdelay $0x3  }
0x34: {  	[smem:$0x3FB2] =	sst s10  }
0x35: {  	s10 =	sld [smem:$0x3FB1];
	_ =	sdelay $0x3  }
0x36: {  	p1 =	seq.s32 s10, $0x1;
	s10 =	sld [smem:$0x3FB2];
	_ =	sdelay $0x3  }
0x37: {  	[smem:$0x3FB2] =	sst s10  }
0x38: {  	s10 =	sld [smem:$0x3FB3]  }
0x39: {  	_ = 	snop;
	(pc) =	sbr.ind lr, $3  }
0x3a: {  	_ = 	snop  }
0x3b: {  	_ = 	snop  }
0x3c: {  	p2 =	seq.s32 s10, $0x1;
	s10 =	sld [smem:$0x3FB2]  }
0x3d: {  	_ =	shalt  }
0x3e: {  	_ =	shalt  }
0x3f: {  	_ =	shalt  }
0x40: {  	_ =	shalt  }
0x41: {  	_ =	shalt  }
0x42: {  	_ =	shalt  }
0x43: {  	_ =	shalt  }
0x44: {  	_ =	shalt  }
0x45: {  	_ =	shalt  }
0x46: {  	_ =	shalt  }
0x47: {  	_ =	shalt  }
0x48: {  	_ =	shalt  }
0x49: {  	_ =	shalt  }
0x4a: {  	_ =	shalt  }
0x4b: {  	_ =	shalt  }
0x4c: {  	_ =	shalt  }
0x4d: {  	_ =	shalt  }
0x4e: {  	_ =	shalt  }
0x4f: {  	_ =	shalt  }
0x50: {  	_ =	shalt  }
0x51: {  	_ =	shalt  }
0x52: {  	_ =	shalt  }
0x53: {  	_ =	shalt  }
0x54: {  	_ =	shalt  }
0x55: {  	_ =	shalt  }
0x56: {  	_ =	shalt  }
0x57: {  	_ =	shalt  }
0x58: {  	_ =	shalt  }
0x59: {  	_ =	shalt  }
0x5a: {  	_ =	shalt  }
0x5b: {  	_ =	shalt  }
0x5c: {  	_ =	shalt  }
0x5d: {  	_ =	shalt  }
0x5e: {  	_ =	shalt  }
0x5f: {  	_ =	shalt  }
0x60: {  	_ =	shalt  }
0x61: {  	_ =	shalt  }
0x62: {  	_ =	shalt  }
0x63: {  	_ =	shalt  }
0x64: {  	_ =	shalt  }
0x65: {  	_ =	shalt  }
0x66: {  	_ =	shalt  }
0x67: {  	_ =	shalt  }
0x68: {  	_ =	shalt  }
0x69: {  	_ =	shalt  }
0x6a: {  	_ =	shalt  }
0x6b: {  	_ =	shalt  }
0x6c: {  	_ =	shalt  }
0x6d: {  	_ =	shalt  }
0x6e: {  	_ =	shalt  }
0x6f: {  	_ =	shalt  }
0x70: {  	_ =	shalt  }
0x71: {  	_ =	shalt  }
0x72: {  	_ =	shalt  }
0x73: {  	_ =	shalt  }
0x74: {  	_ =	shalt  }
0x75: {  	_ =	shalt  }
0x76: {  	_ =	shalt  }
0x77: {  	_ =	shalt  }
0x78: {  	_ =	shalt  }
0x79: {  	_ =	shalt  }
0x7a: {  	_ =	shalt  }
0x7b: {  	_ =	shalt  }
0x7c: {  	_ =	shalt  }
0x7d: {  	_ =	shalt  }
0x7e: {  	_ =	shalt  }
0x7f: {  	_ =	shalt  }
0x80: {  	_ =	shalt  }
0x81: {  	_ =	shalt  }
0x82: {  	_ =	shalt  }
0x83: {  	_ =	shalt  }
0x84: {  	_ =	shalt  }
0x85: {  	_ =	shalt  }
0x86: {  	_ =	shalt  }
0x87: {  	_ =	shalt  }
.Lfunc_end0:
.L_simem_size_0:
called_computation_lowered:
.L_overlay_start_0:
0x88: {  	s2 =	sld [smem:$0x3FD9]  }
0x89: {  	s3 =	sld [smem:$0x3FFE];
	_ =	sdelay $0x1  }
0x8a: {  	s1 =	srdreg.scid  }
0x8b: {  	s0 =	sand.u32 $0x1, s1  }
0x8c: {  	s17 =	sshll.u32 s0, $0xA;
	s2 =	sadd.s32 s3, s2  }
0x8d: {  	s2 =	sadd.s32 s2, s17  }
0x8e: {  	[smem:$0x3FBE] =	sst s2  }
0x8f: {  	_ = 	snop  }
0x90: {  	s18 =	sld [smem:$0x3FC9];
	(tm) =	ssettm $0x1  }
0x91: {  	s19 =	sld [smem:$0x3FFB];
	_ =	sdelay $0x3  }
0x92: {  	_ =	strace s19  }
0x93: {  	s2 =	sld [smem:$0x3FFC];
	_ =	sdelay $0x3  }
0x94: {  	_ =	strace s2  }
0x95: {  	s2 =	sld [smem:$0x3FFD];
	_ =	sdelay $0x3  }
0x96: {  	_ =	strace s2  }
0x97: {  	_ =	strace $0x8FFFFFFF  }
0x98: {  	s20 =	sld [smem:$0x3FDB];
	_ =	sdelay $0x1  }
0x99: {  	s4 =	simm.s32 $_scs_section_size  }
0x9a: {  	s5 =	simm.s32 $_size__tile_overlayer_lowered;
	s6 =	simm.s32 $_tile_overlayer_lowered  }
0x9b: {  	s7 =	simm.s32 $0x1BFF;
	s21 =	sshll.u32 s6, $0x1;
	s4 =	sadd.s32 s4, s20  }
0x9c: {  	s22 =	simm.s32 $0x0;
	s5 =	sshll.u32 s5, $0x1;
	s6 =	sadd.s32 s21, s4  }
0x9d: {  	[timem:s22], [sflag:s7] =	dma.local [hbm:s6], s5  }
0x9e: {  	_ =	swait.ge [sflag:s7], s5  }
0x9f: {  	s5 =	ssub.s32 $0x0, s5;
	[sflag:s7] =	ssyncset.done $0x0  }
0xa0: {  	[sflag:s7] =	ssyncadd.s32 s5;
	_ =	sdelay $0x1  }
0xa1: {  	s23 =	simm.s32 $0x1B8B  }
0xa2: {  	_ =	swait.ge [sflag:s23], $0x1  }
0xa3: {  	[sflag:s23] =	ssyncset.done $0x0  }
0xa4: {  	[sflag:s23] =	ssyncadd.s32 $0xFFFFFFFF  }
0xa5: {  	s5 =	sld [smem:$0x0]  }
0xa6: {  	s6 =	sand.u32 $0xFFFFFFFE, s1  }
0xa7: {  	p0 =	sne.s32 s1, s6  }
0xa8: {  	s6 =	sshll.u32 @p0 s6, $0xE  }
0xa9: {  	s6 =	sadd.s32 @p0 $0x11B8D, s6;
	s7 =	sshll.u32 @p0 s5, $0x11  }
0xaa: {  	s6 =	sor.u32 @p0 s7, s6  }
0xab: {  	[sflag:s6] =	ssyncadd.remote.s32 @p0 $0x1;
	_ =	sdelay $0x1  }
0xac: {  	s6 =	simm.s32 @p0 $0x1B8D  }
0xad: {  	_ =	swait.eq @p0 [sflag:s6], $0x1  }
0xae: {  	[sflag:s6] =	ssyncadd.s32 @p0 $0xFFFFFFFF  }
0xaf: {  	s7 =	sshll.u32 @!p0 s1, $0xE  }
0xb0: {  	s7 =	sor.u32 @!p0 $0x4000, s7;
	s6 =	simm.s32 @!p0 $0x1B8D  }
0xb1: {  	s5 =	sshll.u32 @!p0 s5, $0x11;
	s7 =	sadd.s32 @!p0 $0x11B8D, s7;
	_ =	swait.eq @!p0 [sflag:s6], $0x1  }
0xb2: {  	s5 =	sor.u32 @!p0 s5, s7;
	[sflag:s6] =	ssyncadd.s32 @!p0 $0xFFFFFFFF  }
0xb3: {  	s25 =	simm.s32 $0x1B8E;
	s24 =	sld [smem:$0x3FFE];
	[sflag:s5] =	ssyncadd.remote.s32 @!p0 $0x1  }
0xb4: {  	s26 =	simm.s32 $execute0_lowered;
	[smem:$0x3FD2] =	sst s25  }
0xb5: {  	s6 =	sshll.u32 s26, $0x1;
	_ =	strace $0x80000049;
	[dreg:$0x1] =	wrdreg $0xFFFFFFFF  }
0xb6: {  	s28 =	simm.s32 $_size_execute0_lowered;
	s4 =	sadd.s32 s4, s6;
	[dreg:$0x0] =	wrdreg $0x0  }
0xb7: {  	s6 =	sshll.u32 s28, $0x1;
	[dreg:$0x2] =	wrdreg s4  }
0xb8: {  	[dreg:$0x3] =	wrdreg s6  }
0xb9: {  	[dreg:$0x4] =	wrdreg $0xC0  }
0xba: {  	_ =	task [dreg:s22], $0x5FFFF  }
0xbb: {  	[dreg:$0x1] =	wrdreg $0xFFFFFFFF  }
0xbc: {  	[dreg:$0x0] =	wrdreg $0x60  }
0xbd: {  	[dreg:$0x2] =	wrdreg s18  }
0xbe: {  	[dreg:$0x3] =	wrdreg s24  }
0xbf: {  	[dreg:$0x4] =	wrdreg $0x9  }
0xc0: {  	_ =	task.clear_ibuf [dreg:s22], $0x5FFFF;
	_ =	strace $0x90000049  }
0xc1: {  	s29 =	simm.s32 $0x9;
	_ =	strace $0x8000004B  }
0xc2: {  	_ =	swait.ge [sflag:s29], $0x1  }
0xc3: {  	[sflag:s29] =	ssyncadd.s32 $0xFFFFFFFF  }
0xc4: {  	_ =	strace $0x9000004B  }
0xc5: {  	_ =	sfence  }
0xc6: {  	s30 =	sld [smem:$0x0];
	_ =	sdelay $0x2  }
0xc7: {  	s31 =	sshll.u32 s1, $0xD;
	s1 =	sshrl.u32 s1, $0x2  }
0xc8: {  	s4 =	sand.u32 $0x4000, s31;
	s1 =	sadd.s32 s1, s30  }
0xc9: {  	s0 =	sor.u32 s4, s0;
	s1 =	sshll.u32 s1, $0x11  }
0xca: {  	s0 =	sor.u32 s1, s0  }
0xcb: {  	s0 =	sadd.s32 $0x8F2B, s0  }
0xcc: {  	[sflag:s0] =	ssyncadd.remote.s32 $0x1  }
0xcd: {  	_ =	sfence.sel $0xFFFF  }
0xce: {  	[dreg:$0x0] =	wrdreg $0xFFFFFFFF;
	(pc) =	sbr.abs _section_cstart, $3  }
0xcf: {  	[dreg:$0x1] =	wrdreg $0xFFFFFFFF  }
0xd0: {  	_ =	task.clear_ibuf [dreg:s22], $0x2FFFF;
	_ =	strace $0x9FFFFFFF  }
0xd1: {  	(tm) =	ssettm $0x7FFFFFFF  }
tec
execute0_lowered:
.L_overlay_start_1:
0x0: {  	(tag) =	ssettag $0x1  }
0x1: {  	s4 =	rddreg [dreg:$0x0]  }
0x2: {  	s5 =	rddreg [dreg:$0x1]  }
0x3: {  	s0 =	rddreg [dreg:$0x2]  }
0x4: {  	s3 =	srdreg.scid;
	s2 =	simm.s32 $0x0;
	s1 =	stileid.u32  }
0x5: {  	s9 =	simm.s32 $0x400;
	s10 =	simm.s32 $0x1;
	s11 =	simm.s32 $0x0  }
0x6: {  	s6 =	sand.u32 $0x1, s3;
	[smem:$0x7FF] =	sst s2;
	s30 =	sshll.u32 s1, $0xA  }
0x7: {  	s3 =	sadd.s32 $0x231A00, s5;
	s7 =	sshll.u32 s6, $0x9;
	s6 =	ssub.s32 $0x2, s6  }
0x8: {  	_ =	strace $0x8000004A;
	s7 =	sor.u32 s7, s30;
	s31 =	sshrl.u32 s6, $0x1  }
0x9: {  	s8 =	sshll.u32 s7, $0x4;
	s7 =	sshrl.u32 s7, $0x3;
	s6 =	ssub.s32 s6, s31  }
0xa: {  	s5 =	sadd.s32 s8, s5;
	s4 =	sadd.s32 s4, s7;
	s6 =	smax.u32 s6, $0x1  }
0xb: {  	s7 =	simm.s32 $0x2;
	s8 =	simm.s32 $0x200;
	s5 =	sadd.s32 $0x421A00, s5  }
.LBB2_1:
0xc: {  	[tilespmem:s2], [sflag:$0x2] =	stream.linear.gather [hbm4b:s4+s2], $0x200, $0x38;
	[tilespmem:$0x10400] =	vst v63  }
0xd: {  	_ =	swait.ge [sflag:s7], $0x200  }
0xe: {  	[sflag:s7] =	ssyncset.done $0x0  }
0xf: {  	s12 =	simm.s32 $0x0;
	[sflag:s7] =	ssyncadd.s32 $0xFFFFFE00  }
0x10: {  	v0 =	vld [tilespmem:s12+$0x0];
	_ =	sdelay $0x2  }
0x11: {  	s13 =	simm.s32 $0x40  }
.LBB2_2:
0x12: {  	p0 =	sne.s32 s13, $0x7C0  }
.Ltmp0:
0x13: {  	s14 =	sshra.s32 s13, $0x2;
	s13 =	sadd.s32 $0x40, s13;
	v1 =	vshra.s32 v0, $0x2;
	(pc) =	sbr.rel @p0 .LBB2_2-.Ltmp0, $4  }
0x14: {  	v2 =	vand.u32 $0x1FFE, v0;
	v1 =	vand.u32 $0xFFFFE000, v1;
	v0 =	vld [tilespmem:s14+$0x0]  }
0x15: {  	v1 =	vor.u32 v2, v1  }
0x16: {  	v1 =	vshra.s32 v1, $0x1  }
0x17: {  	[tilespmem:s12+$0x200] =	vst v1;
	s12 =	smov.u32 s14  }
0x18: {  	_ = 	snop  }
0x19: {  	v1 =	vshra.s32 v0, $0x2  }
0x1a: {  	v63 =	vand.u32 $0x1FFE, v0;
	v1 =	vand.u32 $0xFFFFE000, v1  }
0x1b: {  	v0 =	vor.u32 v63, v1  }
0x1c: {  	v0 =	vshra.s32 v0, $0x1  }
0x1d: {  	[tilespmem:s12+$0x200] =	vst v0  }
0x1e: {  	[tilespmem:s9], [sflag:$0x1] =	stream.indirect.gather [hbm4b:s3+s8], $0x80, s8, s8, $0xb8;
	[tilespmem:$0x10400] =	vst v63  }
0x1f: {  	s11 =	sadd.s32 $0x1, s11;
	_ =	swait.ge [sflag:s10], $0x10000  }
0x20: {  	p0 =	sne.s32 s11, s6;
	[sflag:s10] =	ssyncset.done $0x0  }
.Ltmp1:
0x21: {  	[sflag:s10] =	ssyncadd.s32 $0xFFFF0000;
	(pc) =	sbr.rel @p0 .LBB2_1-.Ltmp1, $4  }
0x22: {  	[hbm4b:s5+s2] =	stream.linear.scatter [tilespmem:s9], [sflag:$0x2], $0x10000, $0x38;
	[tilespmem:$0x10400] =	vst v63  }
0x23: {  	_ =	swait.ge [sflag:s7], $0x10000  }
0x24: {  	[sflag:s7] =	ssyncset.done $0x0  }
0x25: {  	[sflag:s7] =	ssyncadd.s32 $0xFFFF0000  }
0x26: {  	_ =	sfence.sel $0x180000  }
0x27: {  	[bflag:$0x0] =	sbarrier.arrive $0xFFFF  }
0x28: {  	p0 =	sne.s32 s1, $0x0;
	_ =	strace $0x9000004A  }
0x29: {  	s0 =	sadd.s32 @!p0 $0x100000, s0;
	[bflag:$0x2] =	sbarrier.arrive $0xFFFF  }
0x2a: {  	[sflag:s0] =	ssyncadd.tile.s32 @!p0 $0x1;
	_ =	shalt  }
.Lfunc_end2:
_tile_overlayer_lowered:
.L_overlay_start_2:
0x2b: {  	(tag) =	ssettag $0x2  }
0x2c: {  	s0 =	rddreg [dreg:$0x0];
	s2 =	stileid.u32  }
0x2d: {  	s1 =	rddreg [dreg:$0x1];
	p0 =	sne.s32 s2, $0x0  }
0x2e: {  	s3 =	rddreg [dreg:$0x2];
	[bflag:$0x3] =	sbarrier.arrive $0xFFFF;
	s2 =	simm.s32 @!p0 $0x1C02  }
0x2f: {  	[timem:s3], [sflag:s2] =	dma.local @!p0 [hbm:s0], s1  }
0x30: {  	s0 =	simm.s32 @!p0 $0x2  }
0x31: {  	_ =	swait.ge @!p0 [sflag:s0], s1  }
0x32: {  	s1 =	ssub.s32 @!p0 $0x0, s1;
	[sflag:s0] =	ssyncset.done @!p0 $0x0  }
0x33: {  	[sflag:s0] =	ssyncadd.s32 @!p0 s1  }
0x34: {  	[bflag:$0x3] =	sbarrier.arrive $0xFFFF  }
0x35: {  	_ =	shalt  }

</sc_bundles>
